<compile_context>
chip_gen: v7x
topology: tpu7x:2x2x1
jax: 0.10.2.dev20260603
libtpu: 0.0.44.dev20260713+nightly
codegen_flags: <defaults>
</compile_context>

<pallas_src>
import jax
import jax.numpy as jnp
from jax import lax
from jax.experimental import pallas as pl
from jax.experimental.pallas import tpu as pltpu
from jax.experimental.pallas import tpu_sc as plsc

OUT_H, OUT_W = 7, 7
NB = OUT_H * OUT_W
SPATIAL_SCALE = 0.25
B, C, H, W = 2, 256, 200, 200
N_ROIS = 1000
N_PAD = 1024
NT = 32
RPT = N_PAD // NT
K_ROWS = 4 * NB
K_GATH = 208
K_PAD = 224
CV = C // 16
OUT_ROW = C * NB


def _prep_body(rois_ref, masks_ref, i00, i01, i10, i11, w00, w01, w10, w11):
    batch = rois_ref[0].astype(jnp.int32)
    x1 = rois_ref[1] * SPATIAL_SCALE
    y1 = rois_ref[2] * SPATIAL_SCALE
    x2 = rois_ref[3] * SPATIAL_SCALE
    y2 = rois_ref[4] * SPATIAL_SCALE
    bin_w = jnp.maximum(x2 - x1, 1.0) * (1.0 / OUT_W)
    bin_h = jnp.maximum(y2 - y1, 1.0) * (1.0 / OUT_H)

    b = lax.broadcasted_iota(jnp.int32, (N_PAD, NB), 1)
    jj = (b % OUT_W).astype(jnp.float32) + 0.5
    ji = (b // OUT_W).astype(jnp.float32) + 0.5
    x = x1[:, None] + jj * bin_w[:, None]
    y = y1[:, None] + ji * bin_h[:, None]
    x0f = jnp.floor(x)
    y0f = jnp.floor(y)
    lx = x - x0f
    ly = y - y0f
    hx = 1.0 - lx
    hy = 1.0 - ly
    x0 = jnp.clip(x0f, 0, W - 1).astype(jnp.int32)
    x1i = jnp.clip(x0f + 1.0, 0, W - 1).astype(jnp.int32)
    y0 = jnp.clip(y0f, 0, H - 1).astype(jnp.int32)
    y1i = jnp.clip(y0f + 1.0, 0, H - 1).astype(jnp.int32)
    base = (batch * (H * W))[:, None]
    i00[...] = base + y0 * W + x0
    i01[...] = base + y0 * W + x1i
    i10[...] = base + y1i * W + x0
    i11[...] = base + y1i * W + x1i
    m = masks_ref[...]
    w00[...] = hy * hx * m
    w01[...] = hy * lx * m
    w10[...] = ly * hx * m
    w11[...] = ly * lx * m


def _prep(rois_t, masks_p):
    shp_i = jax.ShapeDtypeStruct((N_PAD, NB), jnp.int32)
    shp_f = jax.ShapeDtypeStruct((N_PAD, NB), jnp.float32)
    return pl.pallas_call(
        _prep_body,
        out_shape=[shp_i] * 4 + [shp_f] * 4,
    )(rois_t, masks_p)


def _sc_body(table_hbm, idx_hbm, w_hbm, out_hbm,
             idx_v, w_v, rows_v, out_v, sem_g):
    wid = lax.axis_index("s") * 2 + lax.axis_index("c")
    r0 = wid * RPT

    pltpu.sync_copy(idx_hbm.at[wid], idx_v)
    pltpu.sync_copy(w_hbm.at[wid], w_v)

    lane = lax.iota(jnp.int32, 16)
    cvecs = [(lane + cb * 16) * NB for cb in range(CV)]

    def roi_body(i, carry):
        r = r0 + i

        @pl.when(r < N_ROIS)
        def _():
            o1 = pl.multiple_of(i * K_PAD, 8)
            o2 = pl.multiple_of(i * K_PAD + 112, 8)
            c1 = pltpu.async_copy(table_hbm.at[idx_v.at[pl.ds(o1, 112)]],
                                  rows_v.at[pl.ds(0, 112)], sem_g)
            c2 = pltpu.async_copy(table_hbm.at[idx_v.at[pl.ds(o2, 96)]],
                                  rows_v.at[pl.ds(112, 96)], sem_g)
            c1.wait()
            c2.wait()

            wbase = i * K_PAD

            def bin_body(j, c):
                jf = jnp.full((16,), j, jnp.int32)
                wv0 = plsc.load_gather(w_v, [jf + wbase])
                wv1 = plsc.load_gather(w_v, [jf + (wbase + NB)])
                wv2 = plsc.load_gather(w_v, [jf + (wbase + 2 * NB)])
                wv3 = plsc.load_gather(w_v, [jf + (wbase + 3 * NB)])
                for cb in range(CV):
                    sl = pl.ds(cb * 16, 16)
                    acc = wv0 * rows_v[j, sl]
                    acc = acc + wv1 * rows_v[j + NB, sl]
                    acc = acc + wv2 * rows_v[j + 2 * NB, sl]
                    acc = acc + wv3 * rows_v[j + 3 * NB, sl]
                    plsc.store_scatter(out_v, [cvecs[cb] + jf], acc)
                return c

            lax.fori_loop(0, NB, bin_body, 0)
            pltpu.sync_copy(out_v, out_hbm.at[r])

        return carry

    lax.fori_loop(0, RPT, roi_body, 0)


def kernel(inputs, rois, masks):
    flat = jnp.transpose(inputs, (0, 2, 3, 1)).reshape(B * H * W, C)

    rois_t = jnp.pad(rois, ((0, N_PAD - N_ROIS), (0, 0))).T
    masks_p = jnp.pad(masks.reshape(N_ROIS, NB),
                      ((0, N_PAD - N_ROIS), (0, 0)))

    i00, i01, i10, i11, w00, w01, w10, w11 = _prep(rois_t, masks_p)
    idx_all = jnp.pad(jnp.stack([i00, i01, i10, i11], 1).reshape(N_PAD, K_ROWS),
                      ((0, 0), (0, K_PAD - K_ROWS)))
    w_all = jnp.pad(jnp.stack([w00, w01, w10, w11], 1).reshape(N_PAD, K_ROWS),
                    ((0, 0), (0, K_PAD - K_ROWS)))
    idx_blk = idx_all.reshape(NT, RPT * K_PAD)
    w_blk = w_all.reshape(NT, RPT * K_PAD)

    mesh = plsc.VectorSubcoreMesh(core_axis_name="c", subcore_axis_name="s")
    sc_fn = pl.kernel(
        _sc_body,
        out_type=jax.ShapeDtypeStruct((N_ROIS, OUT_ROW), jnp.float32),
        mesh=mesh,
        scratch_types=[
            pltpu.VMEM((RPT * K_PAD,), jnp.int32),
            pltpu.VMEM((RPT * K_PAD,), jnp.float32),
            pltpu.VMEM((K_GATH, C), jnp.float32),
            pltpu.VMEM((OUT_ROW,), jnp.float32),
            pltpu.SemaphoreType.DMA,
        ],
        compiler_params=pltpu.CompilerParams(needs_layout_passes=False),
    )
    out = sc_fn(flat, idx_blk, w_blk)
    return out.reshape(N_ROIS, C, OUT_H, OUT_W)

# --- scband reference (transcript-rebuilt; emitter-appended) ---
"""Pipeline reference for scband-roiarea-80547816669749 (READ-ONLY COPY).

The authoritative reference and input builder live on the scoring server;
editing this copy changes nothing except your own understanding.
"""

import jax, jax.numpy as jnp
import numpy as np

OUT_H, OUT_W = 7, 7
SPATIAL_SCALE = 0.25
B, C, H, W = 2, 256, 200, 200
N_ROIS = 1000


def setup_inputs(seed: int = 0) -> dict:
    key = jax.random.key(seed)
    k1, k2, k3, k4, k5 = jax.random.split(key, 5)
    inputs = jax.random.normal(k1, (B, C, H, W), dtype=jnp.float32)
    img_w = W / SPATIAL_SCALE
    img_h = H / SPATIAL_SCALE
    batch_idx = jax.random.randint(k2, (N_ROIS,), 0, B).astype(jnp.float32)
    xy1 = jax.random.uniform(k3, (N_ROIS, 2), dtype=jnp.float32) * jnp.array([img_w * 0.7, img_h * 0.7], dtype=jnp.float32)
    wh = jax.random.uniform(k4, (N_ROIS, 2), dtype=jnp.float32) * jnp.array([img_w * 0.3, img_h * 0.3], dtype=jnp.float32) + 1.0
    xy2 = xy1 + wh
    rois = jnp.concatenate([batch_idx[:, None], xy1[:, 0:1], xy1[:, 1:2], xy2[:, 0:1], xy2[:, 1:2]], axis=1)
    masks = jax.random.uniform(k5, (N_ROIS, OUT_H, OUT_W), dtype=jnp.float32)
    return {"inputs": inputs, "rois": rois, "masks": masks}


def _roi_area(inputs, rois, masks):
    batch_idx = rois[:, 0].astype(jnp.int32)
    x1 = rois[:, 1] * SPATIAL_SCALE
    y1 = rois[:, 2] * SPATIAL_SCALE
    x2 = rois[:, 3] * SPATIAL_SCALE
    y2 = rois[:, 4] * SPATIAL_SCALE
    roi_w = jnp.maximum(x2 - x1, 1.0)
    roi_h = jnp.maximum(y2 - y1, 1.0)
    bin_w = roi_w / OUT_W
    bin_h = roi_h / OUT_H
    jx = jnp.arange(OUT_W, dtype=jnp.float32) + 0.5
    jy = jnp.arange(OUT_H, dtype=jnp.float32) + 0.5
    xs = x1[:, None] + jx[None, :] * bin_w[:, None]  # [N, OW]
    ys = y1[:, None] + jy[None, :] * bin_h[:, None]  # [N, OH]
    x = jnp.broadcast_to(xs[:, None, :], (rois.shape[0], OUT_H, OUT_W))
    y = jnp.broadcast_to(ys[:, :, None], (rois.shape[0], OUT_H, OUT_W))
    x0f = jnp.floor(x)
    y0f = jnp.floor(y)
    lx = x - x0f
    ly = y - y0f
    hx = 1.0 - lx
    hy = 1.0 - ly
    x0 = jnp.clip(x0f, 0, W - 1).astype(jnp.int32)
    x1i = jnp.clip(x0f + 1.0, 0, W - 1).astype(jnp.int32)
    y0 = jnp.clip(y0f, 0, H - 1).astype(jnp.int32)
    y1i = jnp.clip(y0f + 1.0, 0, H - 1).astype(jnp.int32)
    flat = jnp.transpose(inputs, (0, 2, 3, 1)).reshape(B * H * W, C)
    base = (batch_idx * (H * W))[:, None, None]
    idx00 = base + y0 * W + x0
    idx01 = base + y0 * W + x1i
    idx10 = base + y1i * W + x0
    idx11 = base + y1i * W + x1i
    v00 = jnp.take(flat, idx00, axis=0)  # [N, OH, OW, C]
    v01 = jnp.take(flat, idx01, axis=0)
    v10 = jnp.take(flat, idx10, axis=0)
    v11 = jnp.take(flat, idx11, axis=0)
    out = (v00 * (hy * hx)[..., None] + v01 * (hy * lx)[..., None]
           + v10 * (ly * hx)[..., None] + v11 * (ly * lx)[..., None])
    out = jnp.transpose(out, (0, 3, 1, 2))  # [N, C, OH, OW]
    return out * masks[:, None, :, :]


def reference(inputs, rois, masks):
    return _roi_area(inputs, rois, masks)

if __name__ == "__main__":
    import jax
    _d = setup_inputs()
    print(jax.jit(kernel)(*tuple(_d.values())))

</pallas_src>

<mosaic_0001>
#map = affine_map<(d0, d1) -> (0, 0)>
module attributes {stable_mosaic.version = 14 : i64} {
  func.func @_sc_body(%arg0: i32, %arg1: i32, %arg2: memref<80000x256xf32, #tpu.memory_space<hbm>>, %arg3: memref<32x7168xi32, #tpu.memory_space<hbm>>, %arg4: memref<32x7168xf32, #tpu.memory_space<hbm>>, %arg5: memref<1000x12544xf32, #tpu.memory_space<hbm>>, %arg6: memref<7168xi32, #tpu.memory_space<vmem>>, %arg7: memref<7168xf32, #tpu.memory_space<vmem>>, %arg8: memref<208x256xf32, #tpu.memory_space<vmem>>, %arg9: memref<12544xf32, #tpu.memory_space<vmem>>, %arg10: memref<!tpu.dma_semaphore, #tpu.memory_space<semaphore_mem>>) attributes {dimension_semantics = [#tpu.dimension_semantics<core_parallel>, #tpu.dimension_semantics<subcore_parallel>], iteration_bounds = array<i64: 2, 16>, scalar_prefetch = 0 : i64, scratch_operands = 5 : i64, tpu.core_type = #tpu.core_type<sc_vector_subcore>, window_params = [{transform_indices = #map}, {transform_indices = #map}, {transform_indices = #map}, {transform_indices = #map}]} {
    %mul3A = arith.constant 2 : i32
    %mul3A_0 = arith.muli %arg1, %mul3A : i32
    %add3A = arith.addi %mul3A_0, %arg0 : i32
    %mul3A_1 = arith.constant 32 : i32
    %mul3A_2 = arith.muli %add3A, %mul3A_1 : i32
    "tpu.region"() ({
      %run_scoped3A = tpu.sem_alloc : memref<!tpu.dma_semaphore, #tpu.memory_space<semaphore_mem>>
      %dma_start3A = arith.constant 0 : i32
      %dma_start3A_104 = tpu.memref_slice %arg3[%add3A, %dma_start3A] : memref<32x7168xi32, #tpu.memory_space<hbm>> -> memref<1x7168xi32, #tpu.memory_space<hbm>>
      %dma_start3A_105 = tpu.memref_squeeze %dma_start3A_104 : memref<1x7168xi32, #tpu.memory_space<hbm>> -> memref<7168xi32, #tpu.memory_space<hbm>>
      %dma_start3A_106 = arith.constant 0 : i32
      %dma_start3A_107 = tpu.memref_slice %arg3[%add3A, %dma_start3A_106] : memref<32x7168xi32, #tpu.memory_space<hbm>> -> memref<1x7168xi32, #tpu.memory_space<hbm>>
      %dma_start3A_108 = tpu.memref_squeeze %dma_start3A_107 : memref<1x7168xi32, #tpu.memory_space<hbm>> -> memref<7168xi32, #tpu.memory_space<hbm>>
      tpu.enqueue_dma source(%dma_start3A_108 : memref<7168xi32, #tpu.memory_space<hbm>>) target(%arg6 : memref<7168xi32, #tpu.memory_space<vmem>>) target_semaphore(%run_scoped3A : memref<!tpu.dma_semaphore, #tpu.memory_space<semaphore_mem>>)
      %dma_wait3A = arith.constant 0 : i32
      %dma_wait3A_109 = tpu.memref_slice %arg3[%add3A, %dma_wait3A] : memref<32x7168xi32, #tpu.memory_space<hbm>> -> memref<1x7168xi32, #tpu.memory_space<hbm>>
      %dma_wait3A_110 = tpu.memref_squeeze %dma_wait3A_109 : memref<1x7168xi32, #tpu.memory_space<hbm>> -> memref<7168xi32, #tpu.memory_space<hbm>>
      %dma_wait3A_111 = arith.constant 0 : i32
      %dma_wait3A_112 = tpu.memref_slice %arg3[%add3A, %dma_wait3A_111] : memref<32x7168xi32, #tpu.memory_space<hbm>> -> memref<1x7168xi32, #tpu.memory_space<hbm>>
      %dma_wait3A_113 = tpu.memref_squeeze %dma_wait3A_112 : memref<1x7168xi32, #tpu.memory_space<hbm>> -> memref<7168xi32, #tpu.memory_space<hbm>>
      tpu.wait_dma2 semaphore(%run_scoped3A : memref<!tpu.dma_semaphore, #tpu.memory_space<semaphore_mem>>) src(%dma_wait3A_113 : memref<7168xi32, #tpu.memory_space<hbm>>) dst(%arg6 : memref<7168xi32, #tpu.memory_space<vmem>>)
      tpu.yield
    }) : () -> ()
    "tpu.region"() ({
      %run_scoped3A = tpu.sem_alloc : memref<!tpu.dma_semaphore, #tpu.memory_space<semaphore_mem>>
      %dma_start3A = arith.constant 0 : i32
      %dma_start3A_104 = tpu.memref_slice %arg4[%add3A, %dma_start3A] : memref<32x7168xf32, #tpu.memory_space<hbm>> -> memref<1x7168xf32, #tpu.memory_space<hbm>>
      %dma_start3A_105 = tpu.memref_squeeze %dma_start3A_104 : memref<1x7168xf32, #tpu.memory_space<hbm>> -> memref<7168xf32, #tpu.memory_space<hbm>>
      %dma_start3A_106 = arith.constant 0 : i32
      %dma_start3A_107 = tpu.memref_slice %arg4[%add3A, %dma_start3A_106] : memref<32x7168xf32, #tpu.memory_space<hbm>> -> memref<1x7168xf32, #tpu.memory_space<hbm>>
      %dma_start3A_108 = tpu.memref_squeeze %dma_start3A_107 : memref<1x7168xf32, #tpu.memory_space<hbm>> -> memref<7168xf32, #tpu.memory_space<hbm>>
      tpu.enqueue_dma source(%dma_start3A_108 : memref<7168xf32, #tpu.memory_space<hbm>>) target(%arg7 : memref<7168xf32, #tpu.memory_space<vmem>>) target_semaphore(%run_scoped3A : memref<!tpu.dma_semaphore, #tpu.memory_space<semaphore_mem>>)
      %dma_wait3A = arith.constant 0 : i32
      %dma_wait3A_109 = tpu.memref_slice %arg4[%add3A, %dma_wait3A] : memref<32x7168xf32, #tpu.memory_space<hbm>> -> memref<1x7168xf32, #tpu.memory_space<hbm>>
      %dma_wait3A_110 = tpu.memref_squeeze %dma_wait3A_109 : memref<1x7168xf32, #tpu.memory_space<hbm>> -> memref<7168xf32, #tpu.memory_space<hbm>>
      %dma_wait3A_111 = arith.constant 0 : i32
      %dma_wait3A_112 = tpu.memref_slice %arg4[%add3A, %dma_wait3A_111] : memref<32x7168xf32, #tpu.memory_space<hbm>> -> memref<1x7168xf32, #tpu.memory_space<hbm>>
      %dma_wait3A_113 = tpu.memref_squeeze %dma_wait3A_112 : memref<1x7168xf32, #tpu.memory_space<hbm>> -> memref<7168xf32, #tpu.memory_space<hbm>>
      tpu.wait_dma2 semaphore(%run_scoped3A : memref<!tpu.dma_semaphore, #tpu.memory_space<semaphore_mem>>) src(%dma_wait3A_113 : memref<7168xf32, #tpu.memory_space<hbm>>) dst(%arg7 : memref<7168xf32, #tpu.memory_space<vmem>>)
      tpu.yield
    }) : () -> ()
    %iota3A = tpu.iota {dimensions = array<i32: 0>} : vector<16xi32>
    %add3A_3 = arith.constant 0 : i32
    %add3A_4 = vector.broadcast %add3A_3 : i32 to vector<16xi32>
    %add3A_5 = arith.addi %iota3A, %add3A_4 : vector<16xi32>
    %mul3A_6 = arith.constant 49 : i32
    %mul3A_7 = vector.broadcast %mul3A_6 : i32 to vector<16xi32>
    %mul3A_8 = arith.muli %add3A_5, %mul3A_7 : vector<16xi32>
    %add3A_9 = arith.constant 16 : i32
    %add3A_10 = vector.broadcast %add3A_9 : i32 to vector<16xi32>
    %add3A_11 = arith.addi %iota3A, %add3A_10 : vector<16xi32>
    %mul3A_12 = arith.constant 49 : i32
    %mul3A_13 = vector.broadcast %mul3A_12 : i32 to vector<16xi32>
    %mul3A_14 = arith.muli %add3A_11, %mul3A_13 : vector<16xi32>
    %add3A_15 = arith.constant 32 : i32
    %add3A_16 = vector.broadcast %add3A_15 : i32 to vector<16xi32>
    %add3A_17 = arith.addi %iota3A, %add3A_16 : vector<16xi32>
    %mul3A_18 = arith.constant 49 : i32
    %mul3A_19 = vector.broadcast %mul3A_18 : i32 to vector<16xi32>
    %mul3A_20 = arith.muli %add3A_17, %mul3A_19 : vector<16xi32>
    %add3A_21 = arith.constant 48 : i32
    %add3A_22 = vector.broadcast %add3A_21 : i32 to vector<16xi32>
    %add3A_23 = arith.addi %iota3A, %add3A_22 : vector<16xi32>
    %mul3A_24 = arith.constant 49 : i32
    %mul3A_25 = vector.broadcast %mul3A_24 : i32 to vector<16xi32>
    %mul3A_26 = arith.muli %add3A_23, %mul3A_25 : vector<16xi32>
    %add3A_27 = arith.constant 64 : i32
    %add3A_28 = vector.broadcast %add3A_27 : i32 to vector<16xi32>
    %add3A_29 = arith.addi %iota3A, %add3A_28 : vector<16xi32>
    %mul3A_30 = arith.constant 49 : i32
    %mul3A_31 = vector.broadcast %mul3A_30 : i32 to vector<16xi32>
    %mul3A_32 = arith.muli %add3A_29, %mul3A_31 : vector<16xi32>
    %add3A_33 = arith.constant 80 : i32
    %add3A_34 = vector.broadcast %add3A_33 : i32 to vector<16xi32>
    %add3A_35 = arith.addi %iota3A, %add3A_34 : vector<16xi32>
    %mul3A_36 = arith.constant 49 : i32
    %mul3A_37 = vector.broadcast %mul3A_36 : i32 to vector<16xi32>
    %mul3A_38 = arith.muli %add3A_35, %mul3A_37 : vector<16xi32>
    %add3A_39 = arith.constant 96 : i32
    %add3A_40 = vector.broadcast %add3A_39 : i32 to vector<16xi32>
    %add3A_41 = arith.addi %iota3A, %add3A_40 : vector<16xi32>
    %mul3A_42 = arith.constant 49 : i32
    %mul3A_43 = vector.broadcast %mul3A_42 : i32 to vector<16xi32>
    %mul3A_44 = arith.muli %add3A_41, %mul3A_43 : vector<16xi32>
    %add3A_45 = arith.constant 112 : i32
    %add3A_46 = vector.broadcast %add3A_45 : i32 to vector<16xi32>
    %add3A_47 = arith.addi %iota3A, %add3A_46 : vector<16xi32>
    %mul3A_48 = arith.constant 49 : i32
    %mul3A_49 = vector.broadcast %mul3A_48 : i32 to vector<16xi32>
    %mul3A_50 = arith.muli %add3A_47, %mul3A_49 : vector<16xi32>
    %add3A_51 = arith.constant 128 : i32
    %add3A_52 = vector.broadcast %add3A_51 : i32 to vector<16xi32>
    %add3A_53 = arith.addi %iota3A, %add3A_52 : vector<16xi32>
    %mul3A_54 = arith.constant 49 : i32
    %mul3A_55 = vector.broadcast %mul3A_54 : i32 to vector<16xi32>
    %mul3A_56 = arith.muli %add3A_53, %mul3A_55 : vector<16xi32>
    %add3A_57 = arith.constant 144 : i32
    %add3A_58 = vector.broadcast %add3A_57 : i32 to vector<16xi32>
    %add3A_59 = arith.addi %iota3A, %add3A_58 : vector<16xi32>
    %mul3A_60 = arith.constant 49 : i32
    %mul3A_61 = vector.broadcast %mul3A_60 : i32 to vector<16xi32>
    %mul3A_62 = arith.muli %add3A_59, %mul3A_61 : vector<16xi32>
    %add3A_63 = arith.constant 160 : i32
    %add3A_64 = vector.broadcast %add3A_63 : i32 to vector<16xi32>
    %add3A_65 = arith.addi %iota3A, %add3A_64 : vector<16xi32>
    %mul3A_66 = arith.constant 49 : i32
    %mul3A_67 = vector.broadcast %mul3A_66 : i32 to vector<16xi32>
    %mul3A_68 = arith.muli %add3A_65, %mul3A_67 : vector<16xi32>
    %add3A_69 = arith.constant 176 : i32
    %add3A_70 = vector.broadcast %add3A_69 : i32 to vector<16xi32>
    %add3A_71 = arith.addi %iota3A, %add3A_70 : vector<16xi32>
    %mul3A_72 = arith.constant 49 : i32
    %mul3A_73 = vector.broadcast %mul3A_72 : i32 to vector<16xi32>
    %mul3A_74 = arith.muli %add3A_71, %mul3A_73 : vector<16xi32>
    %add3A_75 = arith.constant 192 : i32
    %add3A_76 = vector.broadcast %add3A_75 : i32 to vector<16xi32>
    %add3A_77 = arith.addi %iota3A, %add3A_76 : vector<16xi32>
    %mul3A_78 = arith.constant 49 : i32
    %mul3A_79 = vector.broadcast %mul3A_78 : i32 to vector<16xi32>
    %mul3A_80 = arith.muli %add3A_77, %mul3A_79 : vector<16xi32>
    %add3A_81 = arith.constant 208 : i32
    %add3A_82 = vector.broadcast %add3A_81 : i32 to vector<16xi32>
    %add3A_83 = arith.addi %iota3A, %add3A_82 : vector<16xi32>
    %mul3A_84 = arith.constant 49 : i32
    %mul3A_85 = vector.broadcast %mul3A_84 : i32 to vector<16xi32>
    %mul3A_86 = arith.muli %add3A_83, %mul3A_85 : vector<16xi32>
    %add3A_87 = arith.constant 224 : i32
    %add3A_88 = vector.broadcast %add3A_87 : i32 to vector<16xi32>
    %add3A_89 = arith.addi %iota3A, %add3A_88 : vector<16xi32>
    %mul3A_90 = arith.constant 49 : i32
    %mul3A_91 = vector.broadcast %mul3A_90 : i32 to vector<16xi32>
    %mul3A_92 = arith.muli %add3A_89, %mul3A_91 : vector<16xi32>
    %add3A_93 = arith.constant 240 : i32
    %add3A_94 = vector.broadcast %add3A_93 : i32 to vector<16xi32>
    %add3A_95 = arith.addi %iota3A, %add3A_94 : vector<16xi32>
    %mul3A_96 = arith.constant 49 : i32
    %mul3A_97 = vector.broadcast %mul3A_96 : i32 to vector<16xi32>
    %mul3A_98 = arith.muli %add3A_95, %mul3A_97 : vector<16xi32>
    %scan3A = arith.constant 0 : i32
    %scan3A_99 = arith.constant 0 : i32
    %scan3A_100 = arith.constant 32 : i32
    %scan3A_101 = arith.addi %scan3A_99, %scan3A_100 : i32
    %scan3A_102 = arith.constant 1 : i32
    scf.for %scan3A_104 = %scan3A_99 to %scan3A_101 step %scan3A_102  : i32 {
      %add3A_105 = arith.addi %mul3A_2, %scan3A_104 : i32
      %lt3A = arith.constant 1000 : i32
      %lt3A_106 = arith.cmpi slt, %add3A_105, %lt3A : i32
      %convert_element_type3A = arith.extui %lt3A_106 : i1 to i32
      %cond3A = arith.constant 0 : i32
      %cond3A_107 = arith.cmpi ne, %convert_element_type3A, %cond3A : i32
      scf.if %cond3A_107 {
        %mul3A_108 = arith.constant 224 : i32
        %mul3A_109 = arith.muli %scan3A_104, %mul3A_108 : i32
        %multiple_of3A = tpu.assume_multiple %mul3A_109, 8 : i32
        %mul3A_110 = arith.constant 224 : i32
        %mul3A_111 = arith.muli %scan3A_104, %mul3A_110 : i32
        %add3A_112 = arith.constant 112 : i32
        %add3A_113 = arith.addi %mul3A_111, %add3A_112 : i32
        %multiple_of3A_114 = tpu.assume_multiple %add3A_113, 8 : i32
        %dma_start3A = arith.constant 0 : i32
        %dma_start3A_115 = arith.constant 0 : i32
        %dma_start3A_116 = tpu.memref_slice %arg8[%dma_start3A, %dma_start3A_115] : memref<208x256xf32, #tpu.memory_space<vmem>> -> memref<112x256xf32, #tpu.memory_space<vmem>>
        %dma_start3A_117 = tpu.memref_slice %arg6[%multiple_of3A] : memref<7168xi32, #tpu.memory_space<vmem>> -> memref<112xi32, #tpu.memory_space<vmem>>
        %dma_start3A_118 = arith.constant 0 : i32
        %dma_start3A_119 = arith.constant 0 : i32
        %dma_start3A_120 = tpu.memref_slice %arg2[%dma_start3A_118, %dma_start3A_119] : memref<80000x256xf32, #tpu.memory_space<hbm>> -> memref<80000x256xf32, #tpu.memory_space<hbm>>
        tpu.enqueue_indirect_dma source(%dma_start3A_120 : memref<80000x256xf32, #tpu.memory_space<hbm>>) target(%dma_start3A_116 : memref<112x256xf32, #tpu.memory_space<vmem>>) offsets(%dma_start3A_117 : memref<112xi32, #tpu.memory_space<vmem>>) semaphore(%arg10 : memref<!tpu.dma_semaphore, #tpu.memory_space<semaphore_mem>>)
        %dma_start3A_121 = arith.constant 112 : i32
        %dma_start3A_122 = arith.constant 0 : i32
        %dma_start3A_123 = tpu.memref_slice %arg8[%dma_start3A_121, %dma_start3A_122] : memref<208x256xf32, #tpu.memory_space<vmem>> -> memref<96x256xf32, #tpu.memory_space<vmem>>
        %dma_start3A_124 = tpu.memref_slice %arg6[%multiple_of3A_114] : memref<7168xi32, #tpu.memory_space<vmem>> -> memref<96xi32, #tpu.memory_space<vmem>>
        %dma_start3A_125 = arith.constant 0 : i32
        %dma_start3A_126 = arith.constant 0 : i32
        %dma_start3A_127 = tpu.memref_slice %arg2[%dma_start3A_125, %dma_start3A_126] : memref<80000x256xf32, #tpu.memory_space<hbm>> -> memref<80000x256xf32, #tpu.memory_space<hbm>>
        tpu.enqueue_indirect_dma source(%dma_start3A_127 : memref<80000x256xf32, #tpu.memory_space<hbm>>) target(%dma_start3A_123 : memref<96x256xf32, #tpu.memory_space<vmem>>) offsets(%dma_start3A_124 : memref<96xi32, #tpu.memory_space<vmem>>) semaphore(%arg10 : memref<!tpu.dma_semaphore, #tpu.memory_space<semaphore_mem>>)
        %dma_wait3A = arith.constant 0 : i32
        %dma_wait3A_128 = arith.constant 0 : i32
        %dma_wait3A_129 = tpu.memref_slice %arg8[%dma_wait3A, %dma_wait3A_128] : memref<208x256xf32, #tpu.memory_space<vmem>> -> memref<112x256xf32, #tpu.memory_space<vmem>>
        %dma_wait3A_130 = tpu.memref_slice %arg6[%multiple_of3A] : memref<7168xi32, #tpu.memory_space<vmem>> -> memref<112xi32, #tpu.memory_space<vmem>>
        %dma_wait3A_131 = arith.constant 0 : i32
        %dma_wait3A_132 = arith.constant 0 : i32
        %dma_wait3A_133 = tpu.memref_slice %arg2[%dma_wait3A_131, %dma_wait3A_132] : memref<80000x256xf32, #tpu.memory_space<hbm>> -> memref<80000x256xf32, #tpu.memory_space<hbm>>
        tpu.wait_indirect_dma semaphore(%arg10 : memref<!tpu.dma_semaphore, #tpu.memory_space<semaphore_mem>>) src(%dma_wait3A_133 : memref<80000x256xf32, #tpu.memory_space<hbm>>) dst(%dma_wait3A_129 : memref<112x256xf32, #tpu.memory_space<vmem>>)
        %dma_wait3A_134 = arith.constant 112 : i32
        %dma_wait3A_135 = arith.constant 0 : i32
        %dma_wait3A_136 = tpu.memref_slice %arg8[%dma_wait3A_134, %dma_wait3A_135] : memref<208x256xf32, #tpu.memory_space<vmem>> -> memref<96x256xf32, #tpu.memory_space<vmem>>
        %dma_wait3A_137 = tpu.memref_slice %arg6[%multiple_of3A_114] : memref<7168xi32, #tpu.memory_space<vmem>> -> memref<96xi32, #tpu.memory_space<vmem>>
        %dma_wait3A_138 = arith.constant 0 : i32
        %dma_wait3A_139 = arith.constant 0 : i32
        %dma_wait3A_140 = tpu.memref_slice %arg2[%dma_wait3A_138, %dma_wait3A_139] : memref<80000x256xf32, #tpu.memory_space<hbm>> -> memref<80000x256xf32, #tpu.memory_space<hbm>>
        tpu.wait_indirect_dma semaphore(%arg10 : memref<!tpu.dma_semaphore, #tpu.memory_space<semaphore_mem>>) src(%dma_wait3A_140 : memref<80000x256xf32, #tpu.memory_space<hbm>>) dst(%dma_wait3A_136 : memref<96x256xf32, #tpu.memory_space<vmem>>)
        %mul3A_141 = arith.constant 224 : i32
        %mul3A_142 = arith.muli %scan3A_104, %mul3A_141 : i32
        %scan3A_143 = arith.constant 0 : i32
        %scan3A_144 = arith.constant 0 : i32
        %scan3A_145 = arith.constant 49 : i32
        %scan3A_146 = arith.addi %scan3A_144, %scan3A_145 : i32
        %scan3A_147 = arith.constant 1 : i32
        scf.for %scan3A_149 = %scan3A_144 to %scan3A_146 step %scan3A_147  : i32 {
          %broadcast_in_dim3A = vector.broadcast %scan3A_149 : i32 to vector<16xi32>
          %add3A_150 = vector.broadcast %mul3A_142 : i32 to vector<16xi32>
          %add3A_151 = arith.addi %broadcast_in_dim3A, %add3A_150 : vector<16xi32>
          %gather3A = tpu.vector_load_idx %arg7[%add3A_151] : memref<7168xf32, #tpu.memory_space<vmem>>[vector<16xi32>], vector<16xf32>,
          %add3A_152 = arith.constant 49 : i32
          %add3A_153 = arith.addi %mul3A_142, %add3A_152 : i32
          %add3A_154 = vector.broadcast %add3A_153 : i32 to vector<16xi32>
          %add3A_155 = arith.addi %broadcast_in_dim3A, %add3A_154 : vector<16xi32>
          %gather3A_156 = tpu.vector_load_idx %arg7[%add3A_155] : memref<7168xf32, #tpu.memory_space<vmem>>[vector<16xi32>], vector<16xf32>,
          %add3A_157 = arith.constant 98 : i32
          %add3A_158 = arith.addi %mul3A_142, %add3A_157 : i32
          %add3A_159 = vector.broadcast %add3A_158 : i32 to vector<16xi32>
          %add3A_160 = arith.addi %broadcast_in_dim3A, %add3A_159 : vector<16xi32>
          %gather3A_161 = tpu.vector_load_idx %arg7[%add3A_160] : memref<7168xf32, #tpu.memory_space<vmem>>[vector<16xi32>], vector<16xf32>,
          %add3A_162 = arith.constant 147 : i32
          %add3A_163 = arith.addi %mul3A_142, %add3A_162 : i32
          %add3A_164 = vector.broadcast %add3A_163 : i32 to vector<16xi32>
          %add3A_165 = arith.addi %broadcast_in_dim3A, %add3A_164 : vector<16xi32>
          %gather3A_166 = tpu.vector_load_idx %arg7[%add3A_165] : memref<7168xf32, #tpu.memory_space<vmem>>[vector<16xi32>], vector<16xf32>,
          %get3A = arith.index_cast %scan3A_149 : i32 to index
          %get3A_167 = arith.constant 0 : index
          %get3A_168 = tpu.vector_load %arg8[%get3A, %get3A_167] {strides = array<i32>} : memref<208x256xf32, #tpu.memory_space<vmem>>, vector<16xf32>,
          %mul3A_169 = arith.mulf %gather3A, %get3A_168 : vector<16xf32>
          %add3A_170 = arith.constant 49 : i32
          %add3A_171 = arith.addi %scan3A_149, %add3A_170 : i32
          %get3A_172 = arith.index_cast %add3A_171 : i32 to index
          %get3A_173 = arith.constant 0 : index
          %get3A_174 = tpu.vector_load %arg8[%get3A_172, %get3A_173] {strides = array<i32>} : memref<208x256xf32, #tpu.memory_space<vmem>>, vector<16xf32>,
          %mul3A_175 = arith.mulf %gather3A_156, %get3A_174 : vector<16xf32>
          %add3A_176 = arith.addf %mul3A_169, %mul3A_175 : vector<16xf32>
          %add3A_177 = arith.constant 98 : i32
          %add3A_178 = arith.addi %scan3A_149, %add3A_177 : i32
          %get3A_179 = arith.index_cast %add3A_178 : i32 to index
          %get3A_180 = arith.constant 0 : index
          %get3A_181 = tpu.vector_load %arg8[%get3A_179, %get3A_180] {strides = array<i32>} : memref<208x256xf32, #tpu.memory_space<vmem>>, vector<16xf32>,
          %mul3A_182 = arith.mulf %gather3A_161, %get3A_181 : vector<16xf32>
          %add3A_183 = arith.addf %add3A_176, %mul3A_182 : vector<16xf32>
          %add3A_184 = arith.constant 147 : i32
          %add3A_185 = arith.addi %scan3A_149, %add3A_184 : i32
          %get3A_186 = arith.index_cast %add3A_185 : i32 to index
          %get3A_187 = arith.constant 0 : index
          %get3A_188 = tpu.vector_load %arg8[%get3A_186, %get3A_187] {strides = array<i32>} : memref<208x256xf32, #tpu.memory_space<vmem>>, vector<16xf32>,
          %mul3A_189 = arith.mulf %gather3A_166, %get3A_188 : vector<16xf32>
          %add3A_190 = arith.addf %add3A_183, %mul3A_189 : vector<16xf32>
          %add3A_191 = arith.addi %mul3A_8, %broadcast_in_dim3A : vector<16xi32>
          tpu.vector_store_idx %arg9[%add3A_191], %add3A_190 : memref<12544xf32, #tpu.memory_space<vmem>>[vector<16xi32>], vector<16xf32>,
          %get3A_192 = arith.index_cast %scan3A_149 : i32 to index
          %get3A_193 = arith.constant 16 : index
          %get3A_194 = tpu.vector_load %arg8[%get3A_192, %get3A_193] {strides = array<i32>} : memref<208x256xf32, #tpu.memory_space<vmem>>, vector<16xf32>,
          %mul3A_195 = arith.mulf %gather3A, %get3A_194 : vector<16xf32>
          %add3A_196 = arith.constant 49 : i32
          %add3A_197 = arith.addi %scan3A_149, %add3A_196 : i32
          %get3A_198 = arith.index_cast %add3A_197 : i32 to index
          %get3A_199 = arith.constant 16 : index
          %get3A_200 = tpu.vector_load %arg8[%get3A_198, %get3A_199] {strides = array<i32>} : memref<208x256xf32, #tpu.memory_space<vmem>>, vector<16xf32>,
          %mul3A_201 = arith.mulf %gather3A_156, %get3A_200 : vector<16xf32>
          %add3A_202 = arith.addf %mul3A_195, %mul3A_201 : vector<16xf32>
          %add3A_203 = arith.constant 98 : i32
          %add3A_204 = arith.addi %scan3A_149, %add3A_203 : i32
          %get3A_205 = arith.index_cast %add3A_204 : i32 to index
          %get3A_206 = arith.constant 16 : index
          %get3A_207 = tpu.vector_load %arg8[%get3A_205, %get3A_206] {strides = array<i32>} : memref<208x256xf32, #tpu.memory_space<vmem>>, vector<16xf32>,
          %mul3A_208 = arith.mulf %gather3A_161, %get3A_207 : vector<16xf32>
          %add3A_209 = arith.addf %add3A_202, %mul3A_208 : vector<16xf32>
          %add3A_210 = arith.constant 147 : i32
          %add3A_211 = arith.addi %scan3A_149, %add3A_210 : i32
          %get3A_212 = arith.index_cast %add3A_211 : i32 to index
          %get3A_213 = arith.constant 16 : index
          %get3A_214 = tpu.vector_load %arg8[%get3A_212, %get3A_213] {strides = array<i32>} : memref<208x256xf32, #tpu.memory_space<vmem>>, vector<16xf32>,
          %mul3A_215 = arith.mulf %gather3A_166, %get3A_214 : vector<16xf32>
          %add3A_216 = arith.addf %add3A_209, %mul3A_215 : vector<16xf32>
          %add3A_217 = arith.addi %mul3A_14, %broadcast_in_dim3A : vector<16xi32>
          tpu.vector_store_idx %arg9[%add3A_217], %add3A_216 : memref<12544xf32, #tpu.memory_space<vmem>>[vector<16xi32>], vector<16xf32>,
          %get3A_218 = arith.index_cast %scan3A_149 : i32 to index
          %get3A_219 = arith.constant 32 : index
          %get3A_220 = tpu.vector_load %arg8[%get3A_218, %get3A_219] {strides = array<i32>} : memref<208x256xf32, #tpu.memory_space<vmem>>, vector<16xf32>,
          %mul3A_221 = arith.mulf %gather3A, %get3A_220 : vector<16xf32>
          %add3A_222 = arith.constant 49 : i32
          %add3A_223 = arith.addi %scan3A_149, %add3A_222 : i32
          %get3A_224 = arith.index_cast %add3A_223 : i32 to index
          %get3A_225 = arith.constant 32 : index
          %get3A_226 = tpu.vector_load %arg8[%get3A_224, %get3A_225] {strides = array<i32>} : memref<208x256xf32, #tpu.memory_space<vmem>>, vector<16xf32>,
          %mul3A_227 = arith.mulf %gather3A_156, %get3A_226 : vector<16xf32>
          %add3A_228 = arith.addf %mul3A_221, %mul3A_227 : vector<16xf32>
          %add3A_229 = arith.constant 98 : i32
          %add3A_230 = arith.addi %scan3A_149, %add3A_229 : i32
          %get3A_231 = arith.index_cast %add3A_230 : i32 to index
          %get3A_232 = arith.constant 32 : index
          %get3A_233 = tpu.vector_load %arg8[%get3A_231, %get3A_232] {strides = array<i32>} : memref<208x256xf32, #tpu.memory_space<vmem>>, vector<16xf32>,
          %mul3A_234 = arith.mulf %gather3A_161, %get3A_233 : vector<16xf32>
          %add3A_235 = arith.addf %add3A_228, %mul3A_234 : vector<16xf32>
          %add3A_236 = arith.constant 147 : i32
          %add3A_237 = arith.addi %scan3A_149, %add3A_236 : i32
          %get3A_238 = arith.index_cast %add3A_237 : i32 to index
          %get3A_239 = arith.constant 32 : index
          %get3A_240 = tpu.vector_load %arg8[%get3A_238, %get3A_239] {strides = array<i32>} : memref<208x256xf32, #tpu.memory_space<vmem>>, vector<16xf32>,
          %mul3A_241 = arith.mulf %gather3A_166, %get3A_240 : vector<16xf32>
          %add3A_242 = arith.addf %add3A_235, %mul3A_241 : vector<16xf32>
          %add3A_243 = arith.addi %mul3A_20, %broadcast_in_dim3A : vector<16xi32>
          tpu.vector_store_idx %arg9[%add3A_243], %add3A_242 : memref<12544xf32, #tpu.memory_space<vmem>>[vector<16xi32>], vector<16xf32>,
          %get3A_244 = arith.index_cast %scan3A_149 : i32 to index
          %get3A_245 = arith.constant 48 : index
          %get3A_246 = tpu.vector_load %arg8[%get3A_244, %get3A_245] {strides = array<i32>} : memref<208x256xf32, #tpu.memory_space<vmem>>, vector<16xf32>,
          %mul3A_247 = arith.mulf %gather3A, %get3A_246 : vector<16xf32>
          %add3A_248 = arith.constant 49 : i32
          %add3A_249 = arith.addi %scan3A_149, %add3A_248 : i32
          %get3A_250 = arith.index_cast %add3A_249 : i32 to index
          %get3A_251 = arith.constant 48 : index
          %get3A_252 = tpu.vector_load %arg8[%get3A_250, %get3A_251] {strides = array<i32>} : memref<208x256xf32, #tpu.memory_space<vmem>>, vector<16xf32>,
          %mul3A_253 = arith.mulf %gather3A_156, %get3A_252 : vector<16xf32>
          %add3A_254 = arith.addf %mul3A_247, %mul3A_253 : vector<16xf32>
          %add3A_255 = arith.constant 98 : i32
          %add3A_256 = arith.addi %scan3A_149, %add3A_255 : i32
          %get3A_257 = arith.index_cast %add3A_256 : i32 to index
          %get3A_258 = arith.constant 48 : index
          %get3A_259 = tpu.vector_load %arg8[%get3A_257, %get3A_258] {strides = array<i32>} : memref<208x256xf32, #tpu.memory_space<vmem>>, vector<16xf32>,
          %mul3A_260 = arith.mulf %gather3A_161, %get3A_259 : vector<16xf32>
          %add3A_261 = arith.addf %add3A_254, %mul3A_260 : vector<16xf32>
          %add3A_262 = arith.constant 147 : i32
          %add3A_263 = arith.addi %scan3A_149, %add3A_262 : i32
          %get3A_264 = arith.index_cast %add3A_263 : i32 to index
          %get3A_265 = arith.constant 48 : index
          %get3A_266 = tpu.vector_load %arg8[%get3A_264, %get3A_265] {strides = array<i32>} : memref<208x256xf32, #tpu.memory_space<vmem>>, vector<16xf32>,
          %mul3A_267 = arith.mulf %gather3A_166, %get3A_266 : vector<16xf32>
          %add3A_268 = arith.addf %add3A_261, %mul3A_267 : vector<16xf32>
          %add3A_269 = arith.addi %mul3A_26, %broadcast_in_dim3A : vector<16xi32>
          tpu.vector_store_idx %arg9[%add3A_269], %add3A_268 : memref<12544xf32, #tpu.memory_space<vmem>>[vector<16xi32>], vector<16xf32>,
          %get3A_270 = arith.index_cast %scan3A_149 : i32 to index
          %get3A_271 = arith.constant 64 : index
          %get3A_272 = tpu.vector_load %arg8[%get3A_270, %get3A_271] {strides = array<i32>} : memref<208x256xf32, #tpu.memory_space<vmem>>, vector<16xf32>,
          %mul3A_273 = arith.mulf %gather3A, %get3A_272 : vector<16xf32>
          %add3A_274 = arith.constant 49 : i32
          %add3A_275 = arith.addi %scan3A_149, %add3A_274 : i32
          %get3A_276 = arith.index_cast %add3A_275 : i32 to index
          %get3A_277 = arith.constant 64 : index
          %get3A_278 = tpu.vector_load %arg8[%get3A_276, %get3A_277] {strides = array<i32>} : memref<208x256xf32, #tpu.memory_space<vmem>>, vector<16xf32>,
          %mul3A_279 = arith.mulf %gather3A_156, %get3A_278 : vector<16xf32>
          %add3A_280 = arith.addf %mul3A_273, %mul3A_279 : vector<16xf32>
          %add3A_281 = arith.constant 98 : i32
          %add3A_282 = arith.addi %scan3A_149, %add3A_281 : i32
          %get3A_283 = arith.index_cast %add3A_282 : i32 to index
          %get3A_284 = arith.constant 64 : index
          %get3A_285 = tpu.vector_load %arg8[%get3A_283, %get3A_284] {strides = array<i32>} : memref<208x256xf32, #tpu.memory_space<vmem>>, vector<16xf32>,
          %mul3A_286 = arith.mulf %gather3A_161, %get3A_285 : vector<16xf32>
          %add3A_287 = arith.addf %add3A_280, %mul3A_286 : vector<16xf32>
          %add3A_288 = arith.constant 147 : i32
          %add3A_289 = arith.addi %scan3A_149, %add3A_288 : i32
          %get3A_290 = arith.index_cast %add3A_289 : i32 to index
          %get3A_291 = arith.constant 64 : index
          %get3A_292 = tpu.vector_load %arg8[%get3A_290, %get3A_291] {strides = array<i32>} : memref<208x256xf32, #tpu.memory_space<vmem>>, vector<16xf32>,
          %mul3A_293 = arith.mulf %gather3A_166, %get3A_292 : vector<16xf32>
          %add3A_294 = arith.addf %add3A_287, %mul3A_293 : vector<16xf32>
          %add3A_295 = arith.addi %mul3A_32, %broadcast_in_dim3A : vector<16xi32>
          tpu.vector_store_idx %arg9[%add3A_295], %add3A_294 : memref<12544xf32, #tpu.memory_space<vmem>>[vector<16xi32>], vector<16xf32>,
          %get3A_296 = arith.index_cast %scan3A_149 : i32 to index
          %get3A_297 = arith.constant 80 : index
          %get3A_298 = tpu.vector_load %arg8[%get3A_296, %get3A_297] {strides = array<i32>} : memref<208x256xf32, #tpu.memory_space<vmem>>, vector<16xf32>,
          %mul3A_299 = arith.mulf %gather3A, %get3A_298 : vector<16xf32>
          %add3A_300 = arith.constant 49 : i32
          %add3A_301 = arith.addi %scan3A_149, %add3A_300 : i32
          %get3A_302 = arith.index_cast %add3A_301 : i32 to index
          %get3A_303 = arith.constant 80 : index
          %get3A_304 = tpu.vector_load %arg8[%get3A_302, %get3A_303] {strides = array<i32>} : memref<208x256xf32, #tpu.memory_space<vmem>>, vector<16xf32>,
          %mul3A_305 = arith.mulf %gather3A_156, %get3A_304 : vector<16xf32>
          %add3A_306 = arith.addf %mul3A_299, %mul3A_305 : vector<16xf32>
          %add3A_307 = arith.constant 98 : i32
          %add3A_308 = arith.addi %scan3A_149, %add3A_307 : i32
          %get3A_309 = arith.index_cast %add3A_308 : i32 to index
          %get3A_310 = arith.constant 80 : index
          %get3A_311 = tpu.vector_load %arg8[%get3A_309, %get3A_310] {strides = array<i32>} : memref<208x256xf32, #tpu.memory_space<vmem>>, vector<16xf32>,
          %mul3A_312 = arith.mulf %gather3A_161, %get3A_311 : vector<16xf32>
          %add3A_313 = arith.addf %add3A_306, %mul3A_312 : vector<16xf32>
          %add3A_314 = arith.constant 147 : i32
          %add3A_315 = arith.addi %scan3A_149, %add3A_314 : i32
          %get3A_316 = arith.index_cast %add3A_315 : i32 to index
          %get3A_317 = arith.constant 80 : index
          %get3A_318 = tpu.vector_load %arg8[%get3A_316, %get3A_317] {strides = array<i32>} : memref<208x256xf32, #tpu.memory_space<vmem>>, vector<16xf32>,
          %mul3A_319 = arith.mulf %gather3A_166, %get3A_318 : vector<16xf32>
          %add3A_320 = arith.addf %add3A_313, %mul3A_319 : vector<16xf32>
          %add3A_321 = arith.addi %mul3A_38, %broadcast_in_dim3A : vector<16xi32>
          tpu.vector_store_idx %arg9[%add3A_321], %add3A_320 : memref<12544xf32, #tpu.memory_space<vmem>>[vector<16xi32>], vector<16xf32>,
          %get3A_322 = arith.index_cast %scan3A_149 : i32 to index
          %get3A_323 = arith.constant 96 : index
          %get3A_324 = tpu.vector_load %arg8[%get3A_322, %get3A_323] {strides = array<i32>} : memref<208x256xf32, #tpu.memory_space<vmem>>, vector<16xf32>,
          %mul3A_325 = arith.mulf %gather3A, %get3A_324 : vector<16xf32>
          %add3A_326 = arith.constant 49 : i32
          %add3A_327 = arith.addi %scan3A_149, %add3A_326 : i32
          %get3A_328 = arith.index_cast %add3A_327 : i32 to index
          %get3A_329 = arith.constant 96 : index
          %get3A_330 = tpu.vector_load %arg8[%get3A_328, %get3A_329] {strides = array<i32>} : memref<208x256xf32, #tpu.memory_space<vmem>>, vector<16xf32>,
          %mul3A_331 = arith.mulf %gather3A_156, %get3A_330 : vector<16xf32>
          %add3A_332 = arith.addf %mul3A_325, %mul3A_331 : vector<16xf32>
          %add3A_333 = arith.constant 98 : i32
          %add3A_334 = arith.addi %scan3A_149, %add3A_333 : i32
          %get3A_335 = arith.index_cast %add3A_334 : i32 to index
          %get3A_336 = arith.constant 96 : index
          %get3A_337 = tpu.vector_load %arg8[%get3A_335, %get3A_336] {strides = array<i32>} : memref<208x256xf32, #tpu.memory_space<vmem>>, vector<16xf32>,
          %mul3A_338 = arith.mulf %gather3A_161, %get3A_337 : vector<16xf32>
          %add3A_339 = arith.addf %add3A_332, %mul3A_338 : vector<16xf32>
          %add3A_340 = arith.constant 147 : i32
          %add3A_341 = arith.addi %scan3A_149, %add3A_340 : i32
          %get3A_342 = arith.index_cast %add3A_341 : i32 to index
          %get3A_343 = arith.constant 96 : index
          %get3A_344 = tpu.vector_load %arg8[%get3A_342, %get3A_343] {strides = array<i32>} : memref<208x256xf32, #tpu.memory_space<vmem>>, vector<16xf32>,
          %mul3A_345 = arith.mulf %gather3A_166, %get3A_344 : vector<16xf32>
          %add3A_346 = arith.addf %add3A_339, %mul3A_345 : vector<16xf32>
          %add3A_347 = arith.addi %mul3A_44, %broadcast_in_dim3A : vector<16xi32>
          tpu.vector_store_idx %arg9[%add3A_347], %add3A_346 : memref<12544xf32, #tpu.memory_space<vmem>>[vector<16xi32>], vector<16xf32>,
          %get3A_348 = arith.index_cast %scan3A_149 : i32 to index
          %get3A_349 = arith.constant 112 : index
          %get3A_350 = tpu.vector_load %arg8[%get3A_348, %get3A_349] {strides = array<i32>} : memref<208x256xf32, #tpu.memory_space<vmem>>, vector<16xf32>,
          %mul3A_351 = arith.mulf %gather3A, %get3A_350 : vector<16xf32>
          %add3A_352 = arith.constant 49 : i32
          %add3A_353 = arith.addi %scan3A_149, %add3A_352 : i32
          %get3A_354 = arith.index_cast %add3A_353 : i32 to index
          %get3A_355 = arith.constant 112 : index
          %get3A_356 = tpu.vector_load %arg8[%get3A_354, %get3A_355] {strides = array<i32>} : memref<208x256xf32, #tpu.memory_space<vmem>>, vector<16xf32>,
          %mul3A_357 = arith.mulf %gather3A_156, %get3A_356 : vector<16xf32>
          %add3A_358 = arith.addf %mul3A_351, %mul3A_357 : vector<16xf32>
          %add3A_359 = arith.constant 98 : i32
          %add3A_360 = arith.addi %scan3A_149, %add3A_359 : i32
          %get3A_361 = arith.index_cast %add3A_360 : i32 to index
          %get3A_362 = arith.constant 112 : index
          %get3A_363 = tpu.vector_load %arg8[%get3A_361, %get3A_362] {strides = array<i32>} : memref<208x256xf32, #tpu.memory_space<vmem>>, vector<16xf32>,
          %mul3A_364 = arith.mulf %gather3A_161, %get3A_363 : vector<16xf32>
          %add3A_365 = arith.addf %add3A_358, %mul3A_364 : vector<16xf32>
          %add3A_366 = arith.constant 147 : i32
          %add3A_367 = arith.addi %scan3A_149, %add3A_366 : i32
          %get3A_368 = arith.index_cast %add3A_367 : i32 to index
          %get3A_369 = arith.constant 112 : index
          %get3A_370 = tpu.vector_load %arg8[%get3A_368, %get3A_369] {strides = array<i32>} : memref<208x256xf32, #tpu.memory_space<vmem>>, vector<16xf32>,
          %mul3A_371 = arith.mulf %gather3A_166, %get3A_370 : vector<16xf32>
          %add3A_372 = arith.addf %add3A_365, %mul3A_371 : vector<16xf32>
          %add3A_373 = arith.addi %mul3A_50, %broadcast_in_dim3A : vector<16xi32>
          tpu.vector_store_idx %arg9[%add3A_373], %add3A_372 : memref<12544xf32, #tpu.memory_space<vmem>>[vector<16xi32>], vector<16xf32>,
          %get3A_374 = arith.index_cast %scan3A_149 : i32 to index
          %get3A_375 = arith.constant 128 : index
          %get3A_376 = tpu.vector_load %arg8[%get3A_374, %get3A_375] {strides = array<i32>} : memref<208x256xf32, #tpu.memory_space<vmem>>, vector<16xf32>,
          %mul3A_377 = arith.mulf %gather3A, %get3A_376 : vector<16xf32>
          %add3A_378 = arith.constant 49 : i32
          %add3A_379 = arith.addi %scan3A_149, %add3A_378 : i32
          %get3A_380 = arith.index_cast %add3A_379 : i32 to index
          %get3A_381 = arith.constant 128 : index
          %get3A_382 = tpu.vector_load %arg8[%get3A_380, %get3A_381] {strides = array<i32>} : memref<208x256xf32, #tpu.memory_space<vmem>>, vector<16xf32>,
          %mul3A_383 = arith.mulf %gather3A_156, %get3A_382 : vector<16xf32>
          %add3A_384 = arith.addf %mul3A_377, %mul3A_383 : vector<16xf32>
          %add3A_385 = arith.constant 98 : i32
          %add3A_386 = arith.addi %scan3A_149, %add3A_385 : i32
          %get3A_387 = arith.index_cast %add3A_386 : i32 to index
          %get3A_388 = arith.constant 128 : index
          %get3A_389 = tpu.vector_load %arg8[%get3A_387, %get3A_388] {strides = array<i32>} : memref<208x256xf32, #tpu.memory_space<vmem>>, vector<16xf32>,
          %mul3A_390 = arith.mulf %gather3A_161, %get3A_389 : vector<16xf32>
          %add3A_391 = arith.addf %add3A_384, %mul3A_390 : vector<16xf32>
          %add3A_392 = arith.constant 147 : i32
          %add3A_393 = arith.addi %scan3A_149, %add3A_392 : i32
          %get3A_394 = arith.index_cast %add3A_393 : i32 to index
          %get3A_395 = arith.constant 128 : index
          %get3A_396 = tpu.vector_load %arg8[%get3A_394, %get3A_395] {strides = array<i32>} : memref<208x256xf32, #tpu.memory_space<vmem>>, vector<16xf32>,
          %mul3A_397 = arith.mulf %gather3A_166, %get3A_396 : vector<16xf32>
          %add3A_398 = arith.addf %add3A_391, %mul3A_397 : vector<16xf32>
          %add3A_399 = arith.addi %mul3A_56, %broadcast_in_dim3A : vector<16xi32>
          tpu.vector_store_idx %arg9[%add3A_399], %add3A_398 : memref<12544xf32, #tpu.memory_space<vmem>>[vector<16xi32>], vector<16xf32>,
          %get3A_400 = arith.index_cast %scan3A_149 : i32 to index
          %get3A_401 = arith.constant 144 : index
          %get3A_402 = tpu.vector_load %arg8[%get3A_400, %get3A_401] {strides = array<i32>} : memref<208x256xf32, #tpu.memory_space<vmem>>, vector<16xf32>,
          %mul3A_403 = arith.mulf %gather3A, %get3A_402 : vector<16xf32>
          %add3A_404 = arith.constant 49 : i32
          %add3A_405 = arith.addi %scan3A_149, %add3A_404 : i32
          %get3A_406 = arith.index_cast %add3A_405 : i32 to index
          %get3A_407 = arith.constant 144 : index
          %get3A_408 = tpu.vector_load %arg8[%get3A_406, %get3A_407] {strides = array<i32>} : memref<208x256xf32, #tpu.memory_space<vmem>>, vector<16xf32>,
          %mul3A_409 = arith.mulf %gather3A_156, %get3A_408 : vector<16xf32>
          %add3A_410 = arith.addf %mul3A_403, %mul3A_409 : vector<16xf32>
          %add3A_411 = arith.constant 98 : i32
          %add3A_412 = arith.addi %scan3A_149, %add3A_411 : i32
          %get3A_413 = arith.index_cast %add3A_412 : i32 to index
          %get3A_414 = arith.constant 144 : index
          %get3A_415 = tpu.vector_load %arg8[%get3A_413, %get3A_414] {strides = array<i32>} : memref<208x256xf32, #tpu.memory_space<vmem>>, vector<16xf32>,
          %mul3A_416 = arith.mulf %gather3A_161, %get3A_415 : vector<16xf32>
          %add3A_417 = arith.addf %add3A_410, %mul3A_416 : vector<16xf32>
          %add3A_418 = arith.constant 147 : i32
          %add3A_419 = arith.addi %scan3A_149, %add3A_418 : i32
          %get3A_420 = arith.index_cast %add3A_419 : i32 to index
          %get3A_421 = arith.constant 144 : index
          %get3A_422 = tpu.vector_load %arg8[%get3A_420, %get3A_421] {strides = array<i32>} : memref<208x256xf32, #tpu.memory_space<vmem>>, vector<16xf32>,
          %mul3A_423 = arith.mulf %gather3A_166, %get3A_422 : vector<16xf32>
          %add3A_424 = arith.addf %add3A_417, %mul3A_423 : vector<16xf32>
          %add3A_425 = arith.addi %mul3A_62, %broadcast_in_dim3A : vector<16xi32>
          tpu.vector_store_idx %arg9[%add3A_425], %add3A_424 : memref<12544xf32, #tpu.memory_space<vmem>>[vector<16xi32>], vector<16xf32>,
          %get3A_426 = arith.index_cast %scan3A_149 : i32 to index
          %get3A_427 = arith.constant 160 : index
          %get3A_428 = tpu.vector_load %arg8[%get3A_426, %get3A_427] {strides = array<i32>} : memref<208x256xf32, #tpu.memory_space<vmem>>, vector<16xf32>,
          %mul3A_429 = arith.mulf %gather3A, %get3A_428 : vector<16xf32>
          %add3A_430 = arith.constant 49 : i32
          %add3A_431 = arith.addi %scan3A_149, %add3A_430 : i32
          %get3A_432 = arith.index_cast %add3A_431 : i32 to index
          %get3A_433 = arith.constant 160 : index
          %get3A_434 = tpu.vector_load %arg8[%get3A_432, %get3A_433] {strides = array<i32>} : memref<208x256xf32, #tpu.memory_space<vmem>>, vector<16xf32>,
          %mul3A_435 = arith.mulf %gather3A_156, %get3A_434 : vector<16xf32>
          %add3A_436 = arith.addf %mul3A_429, %mul3A_435 : vector<16xf32>
          %add3A_437 = arith.constant 98 : i32
          %add3A_438 = arith.addi %scan3A_149, %add3A_437 : i32
          %get3A_439 = arith.index_cast %add3A_438 : i32 to index
          %get3A_440 = arith.constant 160 : index
          %get3A_441 = tpu.vector_load %arg8[%get3A_439, %get3A_440] {strides = array<i32>} : memref<208x256xf32, #tpu.memory_space<vmem>>, vector<16xf32>,
          %mul3A_442 = arith.mulf %gather3A_161, %get3A_441 : vector<16xf32>
          %add3A_443 = arith.addf %add3A_436, %mul3A_442 : vector<16xf32>
          %add3A_444 = arith.constant 147 : i32
          %add3A_445 = arith.addi %scan3A_149, %add3A_444 : i32
          %get3A_446 = arith.index_cast %add3A_445 : i32 to index
          %get3A_447 = arith.constant 160 : index
          %get3A_448 = tpu.vector_load %arg8[%get3A_446, %get3A_447] {strides = array<i32>} : memref<208x256xf32, #tpu.memory_space<vmem>>, vector<16xf32>,
          %mul3A_449 = arith.mulf %gather3A_166, %get3A_448 : vector<16xf32>
          %add3A_450 = arith.addf %add3A_443, %mul3A_449 : vector<16xf32>
          %add3A_451 = arith.addi %mul3A_68, %broadcast_in_dim3A : vector<16xi32>
          tpu.vector_store_idx %arg9[%add3A_451], %add3A_450 : memref<12544xf32, #tpu.memory_space<vmem>>[vector<16xi32>], vector<16xf32>,
          %get3A_452 = arith.index_cast %scan3A_149 : i32 to index
          %get3A_453 = arith.constant 176 : index
          %get3A_454 = tpu.vector_load %arg8[%get3A_452, %get3A_453] {strides = array<i32>} : memref<208x256xf32, #tpu.memory_space<vmem>>, vector<16xf32>,
          %mul3A_455 = arith.mulf %gather3A, %get3A_454 : vector<16xf32>
          %add3A_456 = arith.constant 49 : i32
          %add3A_457 = arith.addi %scan3A_149, %add3A_456 : i32
          %get3A_458 = arith.index_cast %add3A_457 : i32 to index
          %get3A_459 = arith.constant 176 : index
          %get3A_460 = tpu.vector_load %arg8[%get3A_458, %get3A_459] {strides = array<i32>} : memref<208x256xf32, #tpu.memory_space<vmem>>, vector<16xf32>,
          %mul3A_461 = arith.mulf %gather3A_156, %get3A_460 : vector<16xf32>
          %add3A_462 = arith.addf %mul3A_455, %mul3A_461 : vector<16xf32>
          %add3A_463 = arith.constant 98 : i32
          %add3A_464 = arith.addi %scan3A_149, %add3A_463 : i32
          %get3A_465 = arith.index_cast %add3A_464 : i32 to index
          %get3A_466 = arith.constant 176 : index
          %get3A_467 = tpu.vector_load %arg8[%get3A_465, %get3A_466] {strides = array<i32>} : memref<208x256xf32, #tpu.memory_space<vmem>>, vector<16xf32>,
          %mul3A_468 = arith.mulf %gather3A_161, %get3A_467 : vector<16xf32>
          %add3A_469 = arith.addf %add3A_462, %mul3A_468 : vector<16xf32>
          %add3A_470 = arith.constant 147 : i32
          %add3A_471 = arith.addi %scan3A_149, %add3A_470 : i32
          %get3A_472 = arith.index_cast %add3A_471 : i32 to index
          %get3A_473 = arith.constant 176 : index
          %get3A_474 = tpu.vector_load %arg8[%get3A_472, %get3A_473] {strides = array<i32>} : memref<208x256xf32, #tpu.memory_space<vmem>>, vector<16xf32>,
          %mul3A_475 = arith.mulf %gather3A_166, %get3A_474 : vector<16xf32>
          %add3A_476 = arith.addf %add3A_469, %mul3A_475 : vector<16xf32>
          %add3A_477 = arith.addi %mul3A_74, %broadcast_in_dim3A : vector<16xi32>
          tpu.vector_store_idx %arg9[%add3A_477], %add3A_476 : memref<12544xf32, #tpu.memory_space<vmem>>[vector<16xi32>], vector<16xf32>,
          %get3A_478 = arith.index_cast %scan3A_149 : i32 to index
          %get3A_479 = arith.constant 192 : index
          %get3A_480 = tpu.vector_load %arg8[%get3A_478, %get3A_479] {strides = array<i32>} : memref<208x256xf32, #tpu.memory_space<vmem>>, vector<16xf32>,
          %mul3A_481 = arith.mulf %gather3A, %get3A_480 : vector<16xf32>
          %add3A_482 = arith.constant 49 : i32
          %add3A_483 = arith.addi %scan3A_149, %add3A_482 : i32
          %get3A_484 = arith.index_cast %add3A_483 : i32 to index
          %get3A_485 = arith.constant 192 : index
          %get3A_486 = tpu.vector_load %arg8[%get3A_484, %get3A_485] {strides = array<i32>} : memref<208x256xf32, #tpu.memory_space<vmem>>, vector<16xf32>,
          %mul3A_487 = arith.mulf %gather3A_156, %get3A_486 : vector<16xf32>
          %add3A_488 = arith.addf %mul3A_481, %mul3A_487 : vector<16xf32>
          %add3A_489 = arith.constant 98 : i32
          %add3A_490 = arith.addi %scan3A_149, %add3A_489 : i32
          %get3A_491 = arith.index_cast %add3A_490 : i32 to index
          %get3A_492 = arith.constant 192 : index
          %get3A_493 = tpu.vector_load %arg8[%get3A_491, %get3A_492] {strides = array<i32>} : memref<208x256xf32, #tpu.memory_space<vmem>>, vector<16xf32>,
          %mul3A_494 = arith.mulf %gather3A_161, %get3A_493 : vector<16xf32>
          %add3A_495 = arith.addf %add3A_488, %mul3A_494 : vector<16xf32>
          %add3A_496 = arith.constant 147 : i32
          %add3A_497 = arith.addi %scan3A_149, %add3A_496 : i32
          %get3A_498 = arith.index_cast %add3A_497 : i32 to index
          %get3A_499 = arith.constant 192 : index
          %get3A_500 = tpu.vector_load %arg8[%get3A_498, %get3A_499] {strides = array<i32>} : memref<208x256xf32, #tpu.memory_space<vmem>>, vector<16xf32>,
          %mul3A_501 = arith.mulf %gather3A_166, %get3A_500 : vector<16xf32>
          %add3A_502 = arith.addf %add3A_495, %mul3A_501 : vector<16xf32>
          %add3A_503 = arith.addi %mul3A_80, %broadcast_in_dim3A : vector<16xi32>
          tpu.vector_store_idx %arg9[%add3A_503], %add3A_502 : memref<12544xf32, #tpu.memory_space<vmem>>[vector<16xi32>], vector<16xf32>,
          %get3A_504 = arith.index_cast %scan3A_149 : i32 to index
          %get3A_505 = arith.constant 208 : index
          %get3A_506 = tpu.vector_load %arg8[%get3A_504, %get3A_505] {strides = array<i32>} : memref<208x256xf32, #tpu.memory_space<vmem>>, vector<16xf32>,
          %mul3A_507 = arith.mulf %gather3A, %get3A_506 : vector<16xf32>
          %add3A_508 = arith.constant 49 : i32
          %add3A_509 = arith.addi %scan3A_149, %add3A_508 : i32
          %get3A_510 = arith.index_cast %add3A_509 : i32 to index
          %get3A_511 = arith.constant 208 : index
          %get3A_512 = tpu.vector_load %arg8[%get3A_510, %get3A_511] {strides = array<i32>} : memref<208x256xf32, #tpu.memory_space<vmem>>, vector<16xf32>,
          %mul3A_513 = arith.mulf %gather3A_156, %get3A_512 : vector<16xf32>
          %add3A_514 = arith.addf %mul3A_507, %mul3A_513 : vector<16xf32>
          %add3A_515 = arith.constant 98 : i32
          %add3A_516 = arith.addi %scan3A_149, %add3A_515 : i32
          %get3A_517 = arith.index_cast %add3A_516 : i32 to index
          %get3A_518 = arith.constant 208 : index
          %get3A_519 = tpu.vector_load %arg8[%get3A_517, %get3A_518] {strides = array<i32>} : memref<208x256xf32, #tpu.memory_space<vmem>>, vector<16xf32>,
          %mul3A_520 = arith.mulf %gather3A_161, %get3A_519 : vector<16xf32>
          %add3A_521 = arith.addf %add3A_514, %mul3A_520 : vector<16xf32>
          %add3A_522 = arith.constant 147 : i32
          %add3A_523 = arith.addi %scan3A_149, %add3A_522 : i32
          %get3A_524 = arith.index_cast %add3A_523 : i32 to index
          %get3A_525 = arith.constant 208 : index
          %get3A_526 = tpu.vector_load %arg8[%get3A_524, %get3A_525] {strides = array<i32>} : memref<208x256xf32, #tpu.memory_space<vmem>>, vector<16xf32>,
          %mul3A_527 = arith.mulf %gather3A_166, %get3A_526 : vector<16xf32>
          %add3A_528 = arith.addf %add3A_521, %mul3A_527 : vector<16xf32>
          %add3A_529 = arith.addi %mul3A_86, %broadcast_in_dim3A : vector<16xi32>
          tpu.vector_store_idx %arg9[%add3A_529], %add3A_528 : memref<12544xf32, #tpu.memory_space<vmem>>[vector<16xi32>], vector<16xf32>,
          %get3A_530 = arith.index_cast %scan3A_149 : i32 to index
          %get3A_531 = arith.constant 224 : index
          %get3A_532 = tpu.vector_load %arg8[%get3A_530, %get3A_531] {strides = array<i32>} : memref<208x256xf32, #tpu.memory_space<vmem>>, vector<16xf32>,
          %mul3A_533 = arith.mulf %gather3A, %get3A_532 : vector<16xf32>
          %add3A_534 = arith.constant 49 : i32
          %add3A_535 = arith.addi %scan3A_149, %add3A_534 : i32
          %get3A_536 = arith.index_cast %add3A_535 : i32 to index
          %get3A_537 = arith.constant 224 : index
          %get3A_538 = tpu.vector_load %arg8[%get3A_536, %get3A_537] {strides = array<i32>} : memref<208x256xf32, #tpu.memory_space<vmem>>, vector<16xf32>,
          %mul3A_539 = arith.mulf %gather3A_156, %get3A_538 : vector<16xf32>
          %add3A_540 = arith.addf %mul3A_533, %mul3A_539 : vector<16xf32>
          %add3A_541 = arith.constant 98 : i32
          %add3A_542 = arith.addi %scan3A_149, %add3A_541 : i32
          %get3A_543 = arith.index_cast %add3A_542 : i32 to index
          %get3A_544 = arith.constant 224 : index
          %get3A_545 = tpu.vector_load %arg8[%get3A_543, %get3A_544] {strides = array<i32>} : memref<208x256xf32, #tpu.memory_space<vmem>>, vector<16xf32>,
          %mul3A_546 = arith.mulf %gather3A_161, %get3A_545 : vector<16xf32>
          %add3A_547 = arith.addf %add3A_540, %mul3A_546 : vector<16xf32>
          %add3A_548 = arith.constant 147 : i32
          %add3A_549 = arith.addi %scan3A_149, %add3A_548 : i32
          %get3A_550 = arith.index_cast %add3A_549 : i32 to index
          %get3A_551 = arith.constant 224 : index
          %get3A_552 = tpu.vector_load %arg8[%get3A_550, %get3A_551] {strides = array<i32>} : memref<208x256xf32, #tpu.memory_space<vmem>>, vector<16xf32>,
          %mul3A_553 = arith.mulf %gather3A_166, %get3A_552 : vector<16xf32>
          %add3A_554 = arith.addf %add3A_547, %mul3A_553 : vector<16xf32>
          %add3A_555 = arith.addi %mul3A_92, %broadcast_in_dim3A : vector<16xi32>
          tpu.vector_store_idx %arg9[%add3A_555], %add3A_554 : memref<12544xf32, #tpu.memory_space<vmem>>[vector<16xi32>], vector<16xf32>,
          %get3A_556 = arith.index_cast %scan3A_149 : i32 to index
          %get3A_557 = arith.constant 240 : index
          %get3A_558 = tpu.vector_load %arg8[%get3A_556, %get3A_557] {strides = array<i32>} : memref<208x256xf32, #tpu.memory_space<vmem>>, vector<16xf32>,
          %mul3A_559 = arith.mulf %gather3A, %get3A_558 : vector<16xf32>
          %add3A_560 = arith.constant 49 : i32
          %add3A_561 = arith.addi %scan3A_149, %add3A_560 : i32
          %get3A_562 = arith.index_cast %add3A_561 : i32 to index
          %get3A_563 = arith.constant 240 : index
          %get3A_564 = tpu.vector_load %arg8[%get3A_562, %get3A_563] {strides = array<i32>} : memref<208x256xf32, #tpu.memory_space<vmem>>, vector<16xf32>,
          %mul3A_565 = arith.mulf %gather3A_156, %get3A_564 : vector<16xf32>
          %add3A_566 = arith.addf %mul3A_559, %mul3A_565 : vector<16xf32>
          %add3A_567 = arith.constant 98 : i32
          %add3A_568 = arith.addi %scan3A_149, %add3A_567 : i32
          %get3A_569 = arith.index_cast %add3A_568 : i32 to index
          %get3A_570 = arith.constant 240 : index
          %get3A_571 = tpu.vector_load %arg8[%get3A_569, %get3A_570] {strides = array<i32>} : memref<208x256xf32, #tpu.memory_space<vmem>>, vector<16xf32>,
          %mul3A_572 = arith.mulf %gather3A_161, %get3A_571 : vector<16xf32>
          %add3A_573 = arith.addf %add3A_566, %mul3A_572 : vector<16xf32>
          %add3A_574 = arith.constant 147 : i32
          %add3A_575 = arith.addi %scan3A_149, %add3A_574 : i32
          %get3A_576 = arith.index_cast %add3A_575 : i32 to index
          %get3A_577 = arith.constant 240 : index
          %get3A_578 = tpu.vector_load %arg8[%get3A_576, %get3A_577] {strides = array<i32>} : memref<208x256xf32, #tpu.memory_space<vmem>>, vector<16xf32>,
          %mul3A_579 = arith.mulf %gather3A_166, %get3A_578 : vector<16xf32>
          %add3A_580 = arith.addf %add3A_573, %mul3A_579 : vector<16xf32>
          %add3A_581 = arith.addi %mul3A_98, %broadcast_in_dim3A : vector<16xi32>
          tpu.vector_store_idx %arg9[%add3A_581], %add3A_580 : memref<12544xf32, #tpu.memory_space<vmem>>[vector<16xi32>], vector<16xf32>,
        }
        %scan3A_148 = arith.constant 49 : i32
        "tpu.region"() ({
          %run_scoped3A = tpu.sem_alloc : memref<!tpu.dma_semaphore, #tpu.memory_space<semaphore_mem>>
          %dma_start3A_149 = arith.constant 0 : i32
          %dma_start3A_150 = tpu.memref_slice %arg5[%add3A_105, %dma_start3A_149] : memref<1000x12544xf32, #tpu.memory_space<hbm>> -> memref<1x12544xf32, #tpu.memory_space<hbm>>
          %dma_start3A_151 = tpu.memref_squeeze %dma_start3A_150 : memref<1x12544xf32, #tpu.memory_space<hbm>> -> memref<12544xf32, #tpu.memory_space<hbm>>
          %dma_start3A_152 = arith.constant 0 : i32
          %dma_start3A_153 = tpu.memref_slice %arg5[%add3A_105, %dma_start3A_152] : memref<1000x12544xf32, #tpu.memory_space<hbm>> -> memref<1x12544xf32, #tpu.memory_space<hbm>>
          %dma_start3A_154 = tpu.memref_squeeze %dma_start3A_153 : memref<1x12544xf32, #tpu.memory_space<hbm>> -> memref<12544xf32, #tpu.memory_space<hbm>>
          tpu.enqueue_dma source(%arg9 : memref<12544xf32, #tpu.memory_space<vmem>>) target(%dma_start3A_154 : memref<12544xf32, #tpu.memory_space<hbm>>) target_semaphore(%run_scoped3A : memref<!tpu.dma_semaphore, #tpu.memory_space<semaphore_mem>>)
          %dma_wait3A_155 = arith.constant 0 : i32
          %dma_wait3A_156 = tpu.memref_slice %arg5[%add3A_105, %dma_wait3A_155] : memref<1000x12544xf32, #tpu.memory_space<hbm>> -> memref<1x12544xf32, #tpu.memory_space<hbm>>
          %dma_wait3A_157 = tpu.memref_squeeze %dma_wait3A_156 : memref<1x12544xf32, #tpu.memory_space<hbm>> -> memref<12544xf32, #tpu.memory_space<hbm>>
          %dma_wait3A_158 = arith.constant 0 : i32
          %dma_wait3A_159 = tpu.memref_slice %arg5[%add3A_105, %dma_wait3A_158] : memref<1000x12544xf32, #tpu.memory_space<hbm>> -> memref<1x12544xf32, #tpu.memory_space<hbm>>
          %dma_wait3A_160 = tpu.memref_squeeze %dma_wait3A_159 : memref<1x12544xf32, #tpu.memory_space<hbm>> -> memref<12544xf32, #tpu.memory_space<hbm>>
          tpu.wait_dma2 semaphore(%run_scoped3A : memref<!tpu.dma_semaphore, #tpu.memory_space<semaphore_mem>>) src(%arg9 : memref<12544xf32, #tpu.memory_space<vmem>>) dst(%dma_wait3A_160 : memref<12544xf32, #tpu.memory_space<hbm>>)
          tpu.yield
        }) : () -> ()
      } else {
      }
    }
    %scan3A_103 = arith.constant 32 : i32
    return
  }
}

module attributes {stable_mosaic.version = 14 : i64} {
  func.func @_prep_body(%arg0: memref<5x1024xf32, #tpu.memory_space<vmem>>, %arg1: memref<1024x49xf32, #tpu.memory_space<vmem>>, %arg2: memref<1024x49xi32, #tpu.memory_space<vmem>>, %arg3: memref<1024x49xi32, #tpu.memory_space<vmem>>, %arg4: memref<1024x49xi32, #tpu.memory_space<vmem>>, %arg5: memref<1024x49xi32, #tpu.memory_space<vmem>>, %arg6: memref<1024x49xf32, #tpu.memory_space<vmem>>, %arg7: memref<1024x49xf32, #tpu.memory_space<vmem>>, %arg8: memref<1024x49xf32, #tpu.memory_space<vmem>>, %arg9: memref<1024x49xf32, #tpu.memory_space<vmem>>) attributes {dimension_semantics = [], scalar_prefetch = 0 : i64, scratch_operands = 0 : i64, tpu.core_type = #tpu.core_type<tc>} {
    %get3A = arith.constant 0 : index
    %get3A_0 = arith.constant 0 : index
    %get3A_1 = vector.load %arg0[%get3A, %get3A_0] : memref<5x1024xf32, #tpu.memory_space<vmem>>, vector<1x1024xf32>
    %get3A_2 = vector.shape_cast %get3A_1 : vector<1x1024xf32> to vector<1024xf32>
    %convert_element_type3A = arith.fptosi %get3A_2 : vector<1024xf32> to vector<1024xi32>
    %get3A_3 = arith.constant 1 : index
    %get3A_4 = arith.constant 0 : index
    %get3A_5 = vector.load %arg0[%get3A_3, %get3A_4] : memref<5x1024xf32, #tpu.memory_space<vmem>>, vector<1x1024xf32>
    %get3A_6 = vector.shape_cast %get3A_5 : vector<1x1024xf32> to vector<1024xf32>
    %mul3A = arith.constant 2.500000e-01 : f32
    %mul3A_7 = vector.broadcast %mul3A : f32 to vector<1024xf32>
    %mul3A_8 = arith.mulf %get3A_6, %mul3A_7 : vector<1024xf32>
    %get3A_9 = arith.constant 2 : index
    %get3A_10 = arith.constant 0 : index
    %get3A_11 = vector.load %arg0[%get3A_9, %get3A_10] : memref<5x1024xf32, #tpu.memory_space<vmem>>, vector<1x1024xf32>
    %get3A_12 = vector.shape_cast %get3A_11 : vector<1x1024xf32> to vector<1024xf32>
    %mul3A_13 = arith.constant 2.500000e-01 : f32
    %mul3A_14 = vector.broadcast %mul3A_13 : f32 to vector<1024xf32>
    %mul3A_15 = arith.mulf %get3A_12, %mul3A_14 : vector<1024xf32>
    %get3A_16 = arith.constant 3 : index
    %get3A_17 = arith.constant 0 : index
    %get3A_18 = vector.load %arg0[%get3A_16, %get3A_17] : memref<5x1024xf32, #tpu.memory_space<vmem>>, vector<1x1024xf32>
    %get3A_19 = vector.shape_cast %get3A_18 : vector<1x1024xf32> to vector<1024xf32>
    %mul3A_20 = arith.constant 2.500000e-01 : f32
    %mul3A_21 = vector.broadcast %mul3A_20 : f32 to vector<1024xf32>
    %mul3A_22 = arith.mulf %get3A_19, %mul3A_21 : vector<1024xf32>
    %get3A_23 = arith.constant 4 : index
    %get3A_24 = arith.constant 0 : index
    %get3A_25 = vector.load %arg0[%get3A_23, %get3A_24] : memref<5x1024xf32, #tpu.memory_space<vmem>>, vector<1x1024xf32>
    %get3A_26 = vector.shape_cast %get3A_25 : vector<1x1024xf32> to vector<1024xf32>
    %mul3A_27 = arith.constant 2.500000e-01 : f32
    %mul3A_28 = vector.broadcast %mul3A_27 : f32 to vector<1024xf32>
    %mul3A_29 = arith.mulf %get3A_26, %mul3A_28 : vector<1024xf32>
    %sub3A = arith.subf %mul3A_22, %mul3A_8 : vector<1024xf32>
    %max3A = arith.constant 1.000000e+00 : f32
    %max3A_30 = vector.broadcast %max3A : f32 to vector<1024xf32>
    %max3A_31 = arith.maximumf %sub3A, %max3A_30 : vector<1024xf32>
    %mul3A_32 = arith.constant 0.142857149 : f32
    %mul3A_33 = vector.broadcast %mul3A_32 : f32 to vector<1024xf32>
    %mul3A_34 = arith.mulf %max3A_31, %mul3A_33 : vector<1024xf32>
    %sub3A_35 = arith.subf %mul3A_29, %mul3A_15 : vector<1024xf32>
    %max3A_36 = arith.constant 1.000000e+00 : f32
    %max3A_37 = vector.broadcast %max3A_36 : f32 to vector<1024xf32>
    %max3A_38 = arith.maximumf %sub3A_35, %max3A_37 : vector<1024xf32>
    %mul3A_39 = arith.constant 0.142857149 : f32
    %mul3A_40 = vector.broadcast %mul3A_39 : f32 to vector<1024xf32>
    %mul3A_41 = arith.mulf %max3A_38, %mul3A_40 : vector<1024xf32>
    %iota3A = tpu.iota {dimensions = array<i32: 1>} : vector<1024x49xi32>
    %jit3A = arith.constant 7 : i32
    %eq3A = arith.constant 0 : i32
    %eq3A_42 = arith.cmpi eq, %jit3A, %eq3A : i32
    %jit3A_43 = arith.constant 1 : i32
    %select_n3A = arith.select %eq3A_42, %jit3A_43, %jit3A : i32
    %rem3A = vector.broadcast %select_n3A : i32 to vector<1024x49xi32>
    %rem3A_44 = arith.remsi %iota3A, %rem3A : vector<1024x49xi32>
    %ne3A = arith.constant 0 : i32
    %ne3A_45 = vector.broadcast %ne3A : i32 to vector<1024x49xi32>
    %ne3A_46 = arith.cmpi ne, %rem3A_44, %ne3A_45 : vector<1024x49xi32>
    %lt3A = arith.constant 0 : i32
    %lt3A_47 = vector.broadcast %lt3A : i32 to vector<1024x49xi32>
    %lt3A_48 = arith.cmpi slt, %rem3A_44, %lt3A_47 : vector<1024x49xi32>
    %lt3A_49 = arith.constant 0 : i32
    %lt3A_50 = arith.cmpi slt, %select_n3A, %lt3A_49 : i32
    %ne3A_51 = vector.broadcast %lt3A_50 : i1 to vector<1024x49xi1>
    %ne3A_52 = vector.broadcast %ne3A_51 : vector<1024x49xi1> to vector<1024x49xi1>
    %ne3A_53 = arith.xori %lt3A_48, %ne3A_52 : vector<1024x49xi1>
    %and3A = arith.andi %ne3A_53, %ne3A_46 : vector<1024x49xi1>
    %add3A = vector.broadcast %select_n3A : i32 to vector<1024x49xi32>
    %add3A_54 = arith.addi %rem3A_44, %add3A : vector<1024x49xi32>
    %select_n3A_55 = arith.select %and3A, %add3A_54, %rem3A_44 : vector<1024x49xi1>, vector<1024x49xi32>
    %convert_element_type3A_56 = arith.sitofp %select_n3A_55 : vector<1024x49xi32> to vector<1024x49xf32>
    %add3A_57 = arith.constant 5.000000e-01 : f32
    %add3A_58 = vector.broadcast %add3A_57 : f32 to vector<1024x49xf32>
    %add3A_59 = arith.addf %convert_element_type3A_56, %add3A_58 : vector<1024x49xf32>
    %jit3A_60 = arith.constant 7 : i32
    %div3A = vector.broadcast %jit3A_60 : i32 to vector<1024x49xi32>
    %div3A_61 = arith.divsi %iota3A, %div3A : vector<1024x49xi32>
    %sign3A = arith.constant 0 : i32
    %sign3A_62 = vector.broadcast %sign3A : i32 to vector<1024x49xi32>
    %sign3A_63 = arith.cmpi sgt, %iota3A, %sign3A_62 : vector<1024x49xi32>
    %sign3A_64 = arith.extui %sign3A_63 : vector<1024x49xi1> to vector<1024x49xi32>
    %sign3A_65 = arith.constant 0 : i32
    %sign3A_66 = vector.broadcast %sign3A_65 : i32 to vector<1024x49xi32>
    %sign3A_67 = arith.cmpi slt, %iota3A, %sign3A_66 : vector<1024x49xi32>
    %sign3A_68 = arith.extui %sign3A_67 : vector<1024x49xi1> to vector<1024x49xi32>
    %sign3A_69 = arith.subi %sign3A_64, %sign3A_68 : vector<1024x49xi32>
    %sign3A_70 = arith.constant 0 : i32
    %sign3A_71 = arith.cmpi sgt, %jit3A_60, %sign3A_70 : i32
    %sign3A_72 = arith.extui %sign3A_71 : i1 to i32
    %sign3A_73 = arith.constant 0 : i32
    %sign3A_74 = arith.cmpi slt, %jit3A_60, %sign3A_73 : i32
    %sign3A_75 = arith.extui %sign3A_74 : i1 to i32
    %sign3A_76 = arith.subi %sign3A_72, %sign3A_75 : i32
    %ne3A_77 = vector.broadcast %sign3A_76 : i32 to vector<1024x49xi32>
    %ne3A_78 = arith.cmpi ne, %sign3A_69, %ne3A_77 : vector<1024x49xi32>
    %rem3A_79 = vector.broadcast %jit3A_60 : i32 to vector<1024x49xi32>
    %rem3A_80 = arith.remsi %iota3A, %rem3A_79 : vector<1024x49xi32>
    %ne3A_81 = arith.constant 0 : i32
    %ne3A_82 = vector.broadcast %ne3A_81 : i32 to vector<1024x49xi32>
    %ne3A_83 = arith.cmpi ne, %rem3A_80, %ne3A_82 : vector<1024x49xi32>
    %and3A_84 = arith.andi %ne3A_78, %ne3A_83 : vector<1024x49xi1>
    %sub3A_85 = arith.constant 1 : i32
    %sub3A_86 = vector.broadcast %sub3A_85 : i32 to vector<1024x49xi32>
    %sub3A_87 = arith.subi %div3A_61, %sub3A_86 : vector<1024x49xi32>
    %select_n3A_88 = arith.select %and3A_84, %sub3A_87, %div3A_61 : vector<1024x49xi1>, vector<1024x49xi32>
    %convert_element_type3A_89 = arith.sitofp %select_n3A_88 : vector<1024x49xi32> to vector<1024x49xf32>
    %add3A_90 = arith.constant 5.000000e-01 : f32
    %add3A_91 = vector.broadcast %add3A_90 : f32 to vector<1024x49xf32>
    %add3A_92 = arith.addf %convert_element_type3A_89, %add3A_91 : vector<1024x49xf32>
    %broadcast_in_dim3A = vector.shape_cast %mul3A_8 : vector<1024xf32> to vector<1024x1xf32>
    %broadcast_in_dim3A_93 = vector.shape_cast %mul3A_34 : vector<1024xf32> to vector<1024x1xf32>
    %mul3A_94 = vector.broadcast %broadcast_in_dim3A_93 : vector<1024x1xf32> to vector<1024x49xf32>
    %mul3A_95 = arith.mulf %add3A_59, %mul3A_94 : vector<1024x49xf32>
    %add3A_96 = vector.broadcast %broadcast_in_dim3A : vector<1024x1xf32> to vector<1024x49xf32>
    %add3A_97 = arith.addf %add3A_96, %mul3A_95 : vector<1024x49xf32>
    %broadcast_in_dim3A_98 = vector.shape_cast %mul3A_15 : vector<1024xf32> to vector<1024x1xf32>
    %broadcast_in_dim3A_99 = vector.shape_cast %mul3A_41 : vector<1024xf32> to vector<1024x1xf32>
    %mul3A_100 = vector.broadcast %broadcast_in_dim3A_99 : vector<1024x1xf32> to vector<1024x49xf32>
    %mul3A_101 = arith.mulf %add3A_92, %mul3A_100 : vector<1024x49xf32>
    %add3A_102 = vector.broadcast %broadcast_in_dim3A_98 : vector<1024x1xf32> to vector<1024x49xf32>
    %add3A_103 = arith.addf %add3A_102, %mul3A_101 : vector<1024x49xf32>
    %floor3A = math.floor %add3A_97 : vector<1024x49xf32>
    %floor3A_104 = math.floor %add3A_103 : vector<1024x49xf32>
    %sub3A_105 = arith.subf %add3A_97, %floor3A : vector<1024x49xf32>
    %sub3A_106 = arith.subf %add3A_103, %floor3A_104 : vector<1024x49xf32>
    %sub3A_107 = arith.constant 1.000000e+00 : f32
    %sub3A_108 = vector.broadcast %sub3A_107 : f32 to vector<1024x49xf32>
    %sub3A_109 = arith.subf %sub3A_108, %sub3A_105 : vector<1024x49xf32>
    %sub3A_110 = arith.constant 1.000000e+00 : f32
    %sub3A_111 = vector.broadcast %sub3A_110 : f32 to vector<1024x49xf32>
    %sub3A_112 = arith.subf %sub3A_111, %sub3A_106 : vector<1024x49xf32>
    %jit3A_113 = arith.constant 0 : i32
    %jit3A_114 = arith.constant 199 : i32
    %convert_element_type3A_115 = arith.sitofp %jit3A_113 : i32 to f32
    %max3A_116 = vector.broadcast %convert_element_type3A_115 : f32 to vector<1024x49xf32>
    %max3A_117 = arith.maximumf %max3A_116, %floor3A : vector<1024x49xf32>
    %convert_element_type3A_118 = arith.sitofp %jit3A_114 : i32 to f32
    %min3A = vector.broadcast %convert_element_type3A_118 : f32 to vector<1024x49xf32>
    %min3A_119 = arith.minimumf %min3A, %max3A_117 : vector<1024x49xf32>
    %convert_element_type3A_120 = arith.fptosi %min3A_119 : vector<1024x49xf32> to vector<1024x49xi32>
    %add3A_121 = arith.constant 1.000000e+00 : f32
    %add3A_122 = vector.broadcast %add3A_121 : f32 to vector<1024x49xf32>
    %add3A_123 = arith.addf %floor3A, %add3A_122 : vector<1024x49xf32>
    %jit3A_124 = arith.constant 0 : i32
    %jit3A_125 = arith.constant 199 : i32
    %convert_element_type3A_126 = arith.sitofp %jit3A_124 : i32 to f32
    %max3A_127 = vector.broadcast %convert_element_type3A_126 : f32 to vector<1024x49xf32>
    %max3A_128 = arith.maximumf %max3A_127, %add3A_123 : vector<1024x49xf32>
    %convert_element_type3A_129 = arith.sitofp %jit3A_125 : i32 to f32
    %min3A_130 = vector.broadcast %convert_element_type3A_129 : f32 to vector<1024x49xf32>
    %min3A_131 = arith.minimumf %min3A_130, %max3A_128 : vector<1024x49xf32>
    %convert_element_type3A_132 = arith.fptosi %min3A_131 : vector<1024x49xf32> to vector<1024x49xi32>
    %jit3A_133 = arith.constant 0 : i32
    %jit3A_134 = arith.constant 199 : i32
    %convert_element_type3A_135 = arith.sitofp %jit3A_133 : i32 to f32
    %max3A_136 = vector.broadcast %convert_element_type3A_135 : f32 to vector<1024x49xf32>
    %max3A_137 = arith.maximumf %max3A_136, %floor3A_104 : vector<1024x49xf32>
    %convert_element_type3A_138 = arith.sitofp %jit3A_134 : i32 to f32
    %min3A_139 = vector.broadcast %convert_element_type3A_138 : f32 to vector<1024x49xf32>
    %min3A_140 = arith.minimumf %min3A_139, %max3A_137 : vector<1024x49xf32>
    %convert_element_type3A_141 = arith.fptosi %min3A_140 : vector<1024x49xf32> to vector<1024x49xi32>
    %add3A_142 = arith.constant 1.000000e+00 : f32
    %add3A_143 = vector.broadcast %add3A_142 : f32 to vector<1024x49xf32>
    %add3A_144 = arith.addf %floor3A_104, %add3A_143 : vector<1024x49xf32>
    %jit3A_145 = arith.constant 0 : i32
    %jit3A_146 = arith.constant 199 : i32
    %convert_element_type3A_147 = arith.sitofp %jit3A_145 : i32 to f32
    %max3A_148 = vector.broadcast %convert_element_type3A_147 : f32 to vector<1024x49xf32>
    %max3A_149 = arith.maximumf %max3A_148, %add3A_144 : vector<1024x49xf32>
    %convert_element_type3A_150 = arith.sitofp %jit3A_146 : i32 to f32
    %min3A_151 = vector.broadcast %convert_element_type3A_150 : f32 to vector<1024x49xf32>
    %min3A_152 = arith.minimumf %min3A_151, %max3A_149 : vector<1024x49xf32>
    %convert_element_type3A_153 = arith.fptosi %min3A_152 : vector<1024x49xf32> to vector<1024x49xi32>
    %mul3A_154 = arith.constant 40000 : i32
    %mul3A_155 = vector.broadcast %mul3A_154 : i32 to vector<1024xi32>
    %mul3A_156 = arith.muli %convert_element_type3A, %mul3A_155 : vector<1024xi32>
    %broadcast_in_dim3A_157 = vector.shape_cast %mul3A_156 : vector<1024xi32> to vector<1024x1xi32>
    %mul3A_158 = arith.constant 200 : i32
    %mul3A_159 = vector.broadcast %mul3A_158 : i32 to vector<1024x49xi32>
    %mul3A_160 = arith.muli %convert_element_type3A_141, %mul3A_159 : vector<1024x49xi32>
    %add3A_161 = vector.broadcast %broadcast_in_dim3A_157 : vector<1024x1xi32> to vector<1024x49xi32>
    %add3A_162 = arith.addi %add3A_161, %mul3A_160 : vector<1024x49xi32>
    %add3A_163 = arith.addi %add3A_162, %convert_element_type3A_120 : vector<1024x49xi32>
    %swap3A = arith.constant 0 : index
    %swap3A_164 = arith.constant 0 : index
    %swap3A_165 = vector.load %arg2[%swap3A, %swap3A_164] : memref<1024x49xi32, #tpu.memory_space<vmem>>, vector<1024x49xi32>
    tpu.vector_store %arg2[%swap3A, %swap3A_164], %add3A_163 {strides = array<i32>} : memref<1024x49xi32, #tpu.memory_space<vmem>>, vector<1024x49xi32>,
    %mul3A_166 = arith.constant 200 : i32
    %mul3A_167 = vector.broadcast %mul3A_166 : i32 to vector<1024x49xi32>
    %mul3A_168 = arith.muli %convert_element_type3A_141, %mul3A_167 : vector<1024x49xi32>
    %add3A_169 = vector.broadcast %broadcast_in_dim3A_157 : vector<1024x1xi32> to vector<1024x49xi32>
    %add3A_170 = arith.addi %add3A_169, %mul3A_168 : vector<1024x49xi32>
    %add3A_171 = arith.addi %add3A_170, %convert_element_type3A_132 : vector<1024x49xi32>
    %swap3A_172 = arith.constant 0 : index
    %swap3A_173 = arith.constant 0 : index
    %swap3A_174 = vector.load %arg3[%swap3A_172, %swap3A_173] : memref<1024x49xi32, #tpu.memory_space<vmem>>, vector<1024x49xi32>
    tpu.vector_store %arg3[%swap3A_172, %swap3A_173], %add3A_171 {strides = array<i32>} : memref<1024x49xi32, #tpu.memory_space<vmem>>, vector<1024x49xi32>,
    %mul3A_175 = arith.constant 200 : i32
    %mul3A_176 = vector.broadcast %mul3A_175 : i32 to vector<1024x49xi32>
    %mul3A_177 = arith.muli %convert_element_type3A_153, %mul3A_176 : vector<1024x49xi32>
    %add3A_178 = vector.broadcast %broadcast_in_dim3A_157 : vector<1024x1xi32> to vector<1024x49xi32>
    %add3A_179 = arith.addi %add3A_178, %mul3A_177 : vector<1024x49xi32>
    %add3A_180 = arith.addi %add3A_179, %convert_element_type3A_120 : vector<1024x49xi32>
    %swap3A_181 = arith.constant 0 : index
    %swap3A_182 = arith.constant 0 : index
    %swap3A_183 = vector.load %arg4[%swap3A_181, %swap3A_182] : memref<1024x49xi32, #tpu.memory_space<vmem>>, vector<1024x49xi32>
    tpu.vector_store %arg4[%swap3A_181, %swap3A_182], %add3A_180 {strides = array<i32>} : memref<1024x49xi32, #tpu.memory_space<vmem>>, vector<1024x49xi32>,
    %mul3A_184 = arith.constant 200 : i32
    %mul3A_185 = vector.broadcast %mul3A_184 : i32 to vector<1024x49xi32>
    %mul3A_186 = arith.muli %convert_element_type3A_153, %mul3A_185 : vector<1024x49xi32>
    %add3A_187 = vector.broadcast %broadcast_in_dim3A_157 : vector<1024x1xi32> to vector<1024x49xi32>
    %add3A_188 = arith.addi %add3A_187, %mul3A_186 : vector<1024x49xi32>
    %add3A_189 = arith.addi %add3A_188, %convert_element_type3A_132 : vector<1024x49xi32>
    %swap3A_190 = arith.constant 0 : index
    %swap3A_191 = arith.constant 0 : index
    %swap3A_192 = vector.load %arg5[%swap3A_190, %swap3A_191] : memref<1024x49xi32, #tpu.memory_space<vmem>>, vector<1024x49xi32>
    tpu.vector_store %arg5[%swap3A_190, %swap3A_191], %add3A_189 {strides = array<i32>} : memref<1024x49xi32, #tpu.memory_space<vmem>>, vector<1024x49xi32>,
    %get3A_193 = arith.constant 0 : index
    %get3A_194 = arith.constant 0 : index
    %get3A_195 = vector.load %arg1[%get3A_193, %get3A_194] : memref<1024x49xf32, #tpu.memory_space<vmem>>, vector<1024x49xf32>
    %mul3A_196 = arith.mulf %sub3A_112, %sub3A_109 : vector<1024x49xf32>
    %mul3A_197 = arith.mulf %mul3A_196, %get3A_195 : vector<1024x49xf32>
    %swap3A_198 = arith.constant 0 : index
    %swap3A_199 = arith.constant 0 : index
    %swap3A_200 = vector.load %arg6[%swap3A_198, %swap3A_199] : memref<1024x49xf32, #tpu.memory_space<vmem>>, vector<1024x49xf32>
    tpu.vector_store %arg6[%swap3A_198, %swap3A_199], %mul3A_197 {strides = array<i32>} : memref<1024x49xf32, #tpu.memory_space<vmem>>, vector<1024x49xf32>,
    %mul3A_201 = arith.mulf %sub3A_112, %sub3A_105 : vector<1024x49xf32>
    %mul3A_202 = arith.mulf %mul3A_201, %get3A_195 : vector<1024x49xf32>
    %swap3A_203 = arith.constant 0 : index
    %swap3A_204 = arith.constant 0 : index
    %swap3A_205 = vector.load %arg7[%swap3A_203, %swap3A_204] : memref<1024x49xf32, #tpu.memory_space<vmem>>, vector<1024x49xf32>
    tpu.vector_store %arg7[%swap3A_203, %swap3A_204], %mul3A_202 {strides = array<i32>} : memref<1024x49xf32, #tpu.memory_space<vmem>>, vector<1024x49xf32>,
    %mul3A_206 = arith.mulf %sub3A_106, %sub3A_109 : vector<1024x49xf32>
    %mul3A_207 = arith.mulf %mul3A_206, %get3A_195 : vector<1024x49xf32>
    %swap3A_208 = arith.constant 0 : index
    %swap3A_209 = arith.constant 0 : index
    %swap3A_210 = vector.load %arg8[%swap3A_208, %swap3A_209] : memref<1024x49xf32, #tpu.memory_space<vmem>>, vector<1024x49xf32>
    tpu.vector_store %arg8[%swap3A_208, %swap3A_209], %mul3A_207 {strides = array<i32>} : memref<1024x49xf32, #tpu.memory_space<vmem>>, vector<1024x49xf32>,
    %mul3A_211 = arith.mulf %sub3A_106, %sub3A_105 : vector<1024x49xf32>
    %mul3A_212 = arith.mulf %mul3A_211, %get3A_195 : vector<1024x49xf32>
    %swap3A_213 = arith.constant 0 : index
    %swap3A_214 = arith.constant 0 : index
    %swap3A_215 = vector.load %arg9[%swap3A_213, %swap3A_214] : memref<1024x49xf32, #tpu.memory_space<vmem>>, vector<1024x49xf32>
    tpu.vector_store %arg9[%swap3A_213, %swap3A_214], %mul3A_212 {strides = array<i32>} : memref<1024x49xf32, #tpu.memory_space<vmem>>, vector<1024x49xf32>,
    return
  }
}

</mosaic_0001>

<sc_bundles>
// kernel: kernel.4.cloned.1.call-start
scs
__scs_entry_jumppad:
0x0: {  	(pc) =	sbr.rel $0x88, $3  }
0x1: {  	(tag) =	ssettag $0x0;
	lr =	simm.s32 $0x1  }
0x2: {  	[smem:$0x3F9E] =	sst lr;
	_ =	strace $0xD0000000  }
0x3: {  	_ = 	snop  }
0x4: {  	_ = 	snop  }
0x5: {  	_ = 	snop  }
0x6: {  	_ = 	snop  }
0x7: {  	_ = 	snop  }
__scs_overlays_trampoline_lowered:
0x8: {  	[smem:$0x3FAD] =	sst s0  }
0x9: {  	[smem:$0x3FAE] =	sst s1  }
0xa: {  	[smem:$0x3FAF] =	sst s2  }
0xb: {  	[smem:$0x3FB0] =	sst s3  }
0xc: {  	[smem:$0x3FB1] =	sst s4  }
0xd: {  	[smem:$0x3FB2] =	sst s5  }
0xe: {  	[smem:$0x3FB3] =	sst s6  }
0xf: {  	[smem:$0x3FB4] =	sst s7  }
0x10: {  	[smem:$0x3FB5] =	sst s8  }
0x11: {  	[smem:$0x3FB6] =	sst s9;
	s0 =	simm.s32 @!p0 $0x0  }
0x12: {  	s1 =	sld [smem:$0x3F9C];
	s0 =	simm.s32 @p0 $0x1  }
0x13: {  	[smem:$0x3FB7] =	sst s0;
	s0 =	simm.s32 @!p1 $0x0  }
0x14: {  	s2 =	sld [smem:$0x3F9B];
	s0 =	simm.s32 @p1 $0x1  }
0x15: {  	[smem:$0x3FB8] =	sst s0;
	s0 =	simm.s32 @!p2 $0x0  }
0x16: {  	s3 =	sld [smem:$0x3FDB];
	s0 =	simm.s32 @p2 $0x1  }
0x17: {  	s4 =	simm.s32 $0x1BF5;
	[smem:$0x3FBA] =	sst s0  }
0x18: {  	s0 =	sld [smem:$0x3F9D];
	_ =	swait.ge [sflag:s4], $0x0  }
0x19: {  	s7 =	sld [smem:$0x3F9E]  }
0x1a: {  	s8 =	sadd.s32 $0xFFFFE003, lr  }
0x1b: {  	s9 =	sadd.s32 $0xFFFFFEF7, lr;
	s5 =	simm.s32 $0xFFFFFFFF;
	p2 =	slt.u32 s8, $0xFFFFF086  }
0x1c: {  	p1 =	slt.u32 s9, $0xF7A;
	s5 =	simm.s32 @!p2 $0x0  }
0x1d: {  	s5 =	simm.s32 @p1 $0x1;
	p0 =	seq.s32 s7, s2  }
0x1e: {  	s7 =	smul.u32 @!p0 $0xF7A, s2;
	p2 =	seq.s32 @!p0 s5, $0x0  }
0x1f: {  	s9 =	smul.u32 $0xF7A, s1;
	s8 =	simm.s32 @!p0 $0x1BF5;
	p2 =	por !p2, p0  }
0x20: {  	[sflag:s8] =	ssyncset.s32 @!p0 $0xFFFFF086;
	s6 =	sadd.s32 @!p0 s3, s7;
	s7 =	simm.s32 @!p0 $0x108  }
0x21: {  	s3 =	sadd.s32 s3, s9;
	s6 =	sadd.s32 @!p0 $0x88, s6;
	s7 =	simm.s32 @p2 $0x1082  }
0x22: {  	[simem:s7], [sflag:s8] =	dma.local @!p0 [hbm:s6], $0xF7A  }
0x23: {  	s9 =	sor.u32 $0xD0000000, s2;
	s6 =	simm.s32 $0x108;
	_ =	swait.ge @!p0 [sflag:s8], $0x0  }
0x24: {  	s3 =	sadd.s32 $0x88, s3;
	s6 =	simm.s32 @!p1 $0x1082;
	[sflag:s4] =	ssyncset.s32 $0xFFFFF086  }
0x25: {  	[simem:s6], [sflag:s4] =	dma.local [hbm:s3], $0xF7A  }
0x26: {  	[smem:$0x3F9E] =	sst s1;
	(tag) =	ssettag s2;
	_ =	strace s9  }
0x27: {  	s1 =	sld [smem:$0x3FAE]  }
0x28: {  	s2 =	sld [smem:$0x3FAF]  }
0x29: {  	s4 =	sld [smem:$0x3FB1]  }
0x2a: {  	p0 =	seq.s32 s5, $0x0;
	s5 =	sld [smem:$0x3FB2]  }
0x2b: {  	s6 =	sld [smem:$0x3FB3]  }
0x2c: {  	s7 =	sld [smem:$0x3FB4]  }
0x2d: {  	s3 =	simm.s32 $0x108;
	s8 =	sld [smem:$0x3FB5]  }
0x2e: {  	s3 =	simm.s32 @!p0 $0x1082;
	s9 =	sld [smem:$0x3FB6]  }
0x2f: {  	lr =	sadd.s32 s0, s3;
	s0 =	sld [smem:$0x3FAD]  }
0x30: {  	s3 =	sld [smem:$0x3FB0]  }
0x31: {  	[smem:$0x3FB9] =	sst s10  }
0x32: {  	s10 =	sld [smem:$0x3FB7];
	_ =	sdelay $0x3  }
0x33: {  	p0 =	seq.s32 s10, $0x1;
	s10 =	sld [smem:$0x3FB9];
	_ =	sdelay $0x3  }
0x34: {  	[smem:$0x3FB9] =	sst s10  }
0x35: {  	s10 =	sld [smem:$0x3FB8];
	_ =	sdelay $0x3  }
0x36: {  	p1 =	seq.s32 s10, $0x1;
	s10 =	sld [smem:$0x3FB9];
	_ =	sdelay $0x3  }
0x37: {  	[smem:$0x3FB9] =	sst s10  }
0x38: {  	s10 =	sld [smem:$0x3FBA]  }
0x39: {  	_ = 	snop;
	(pc) =	sbr.ind lr, $3  }
0x3a: {  	_ = 	snop  }
0x3b: {  	_ = 	snop  }
0x3c: {  	p2 =	seq.s32 s10, $0x1;
	s10 =	sld [smem:$0x3FB9]  }
0x3d: {  	_ =	shalt  }
0x3e: {  	_ =	shalt  }
0x3f: {  	_ =	shalt  }
0x40: {  	_ =	shalt  }
0x41: {  	_ =	shalt  }
0x42: {  	_ =	shalt  }
0x43: {  	_ =	shalt  }
0x44: {  	_ =	shalt  }
0x45: {  	_ =	shalt  }
0x46: {  	_ =	shalt  }
0x47: {  	_ =	shalt  }
0x48: {  	_ =	shalt  }
0x49: {  	_ =	shalt  }
0x4a: {  	_ =	shalt  }
0x4b: {  	_ =	shalt  }
0x4c: {  	_ =	shalt  }
0x4d: {  	_ =	shalt  }
0x4e: {  	_ =	shalt  }
0x4f: {  	_ =	shalt  }
0x50: {  	_ =	shalt  }
0x51: {  	_ =	shalt  }
0x52: {  	_ =	shalt  }
0x53: {  	_ =	shalt  }
0x54: {  	_ =	shalt  }
0x55: {  	_ =	shalt  }
0x56: {  	_ =	shalt  }
0x57: {  	_ =	shalt  }
0x58: {  	_ =	shalt  }
0x59: {  	_ =	shalt  }
0x5a: {  	_ =	shalt  }
0x5b: {  	_ =	shalt  }
0x5c: {  	_ =	shalt  }
0x5d: {  	_ =	shalt  }
0x5e: {  	_ =	shalt  }
0x5f: {  	_ =	shalt  }
0x60: {  	_ =	shalt  }
0x61: {  	_ =	shalt  }
0x62: {  	_ =	shalt  }
0x63: {  	_ =	shalt  }
0x64: {  	_ =	shalt  }
0x65: {  	_ =	shalt  }
0x66: {  	_ =	shalt  }
0x67: {  	_ =	shalt  }
0x68: {  	_ =	shalt  }
0x69: {  	_ =	shalt  }
0x6a: {  	_ =	shalt  }
0x6b: {  	_ =	shalt  }
0x6c: {  	_ =	shalt  }
0x6d: {  	_ =	shalt  }
0x6e: {  	_ =	shalt  }
0x6f: {  	_ =	shalt  }
0x70: {  	_ =	shalt  }
0x71: {  	_ =	shalt  }
0x72: {  	_ =	shalt  }
0x73: {  	_ =	shalt  }
0x74: {  	_ =	shalt  }
0x75: {  	_ =	shalt  }
0x76: {  	_ =	shalt  }
0x77: {  	_ =	shalt  }
0x78: {  	_ =	shalt  }
0x79: {  	_ =	shalt  }
0x7a: {  	_ =	shalt  }
0x7b: {  	_ =	shalt  }
0x7c: {  	_ =	shalt  }
0x7d: {  	_ =	shalt  }
0x7e: {  	_ =	shalt  }
0x7f: {  	_ =	shalt  }
0x80: {  	_ =	shalt  }
0x81: {  	_ =	shalt  }
0x82: {  	_ =	shalt  }
0x83: {  	_ =	shalt  }
0x84: {  	_ =	shalt  }
0x85: {  	_ =	shalt  }
0x86: {  	_ =	shalt  }
0x87: {  	_ =	shalt  }
.Lfunc_end0:
.L_simem_size_0:
called_computation.1_lowered:
.L_overlay_start_0:
0x88: {  	s2 =	sld [smem:$0x3FD9]  }
0x89: {  	s3 =	sld [smem:$0x3FFE];
	_ =	sdelay $0x1  }
0x8a: {  	s1 =	srdreg.scid  }
0x8b: {  	s0 =	sand.u32 $0x1, s1  }
0x8c: {  	s17 =	sshll.u32 s0, $0xA;
	s2 =	sadd.s32 s3, s2  }
0x8d: {  	s2 =	sadd.s32 s2, s17  }
0x8e: {  	[smem:$0x3FC5] =	sst s2  }
0x8f: {  	_ = 	snop  }
0x90: {  	s2 =	sld [smem:$0x3FC9]  }
0x91: {  	s18 =	sld [smem:$0x3FD0];
	(tm) =	ssettm $0x1  }
0x92: {  	s4 =	sld [smem:$0x3FFB];
	_ =	sdelay $0x3  }
0x93: {  	_ =	strace s4  }
0x94: {  	s4 =	sld [smem:$0x3FFC];
	_ =	sdelay $0x3  }
0x95: {  	_ =	strace s4  }
0x96: {  	s4 =	sld [smem:$0x3FFD];
	_ =	sdelay $0x3  }
0x97: {  	_ =	strace s4  }
0x98: {  	_ =	strace $0x8FFFFFFF  }
0x99: {  	s19 =	sld [smem:$0x3FDB];
	_ =	sdelay $0x1  }
0x9a: {  	s5 =	simm.s32 $_scs_section_size  }
0x9b: {  	s6 =	simm.s32 $_size__tile_overlayer_lowered;
	s7 =	simm.s32 $_tile_overlayer_lowered  }
0x9c: {  	s22 =	simm.s32 $0x1BFF;
	s21 =	sshll.u32 s7, $0x1;
	s4 =	sadd.s32 s5, s19  }
0x9d: {  	s8 =	simm.s32 $0x0;
	s20 =	sshll.u32 s6, $0x1;
	s6 =	sadd.s32 s21, s4  }
0x9e: {  	[timem:s8], [sflag:s22] =	dma.local [hbm:s6], s20  }
0x9f: {  	_ =	swait.ge [sflag:s22], s20  }
0xa0: {  	s5 =	ssub.s32 $0x0, s20;
	[sflag:s22] =	ssyncset.done $0x0  }
0xa1: {  	[sflag:s22] =	ssyncadd.s32 s5;
	_ =	sdelay $0x1  }
0xa2: {  	s23 =	simm.s32 $0x1B8B  }
0xa3: {  	_ =	swait.ge [sflag:s23], $0x1  }
0xa4: {  	[sflag:s23] =	ssyncset.done $0x0  }
0xa5: {  	s25 =	simm.s32 $0x1B8E;
	s24 =	sld [smem:$0x3FFE];
	[sflag:s23] =	ssyncadd.s32 $0xFFFFFFFF  }
0xa6: {  	s26 =	simm.s32 $execute0_lowered;
	[smem:$0x3FD2] =	sst s25  }
0xa7: {  	s6 =	sshll.u32 s26, $0x1;
	_ =	strace $0x80000046;
	[dreg:$0x1] =	wrdreg $0xFFFFFFFF  }
0xa8: {  	s28 =	simm.s32 $_size_execute0_lowered;
	s4 =	sadd.s32 s4, s6;
	[dreg:$0x0] =	wrdreg $0x0  }
0xa9: {  	s6 =	sshll.u32 s28, $0x1;
	[dreg:$0x2] =	wrdreg s4  }
0xaa: {  	[dreg:$0x3] =	wrdreg s6  }
0xab: {  	[dreg:$0x4] =	wrdreg $0xC0  }
0xac: {  	_ =	task [dreg:s8], $0x5FFFF  }
0xad: {  	[dreg:$0x1] =	wrdreg $0xFFFFFFFF  }
0xae: {  	[dreg:$0x0] =	wrdreg $0x60  }
0xaf: {  	[dreg:$0x2] =	wrdreg s2  }
0xb0: {  	[dreg:$0x3] =	wrdreg s24  }
0xb1: {  	[dreg:$0x4] =	wrdreg s18  }
0xb2: {  	[dreg:$0x5] =	wrdreg $0x9  }
0xb3: {  	_ =	task.clear_ibuf [dreg:s8], $0x6FFFF;
	_ =	strace $0x90000046  }
0xb4: {  	s29 =	simm.s32 $0x9;
	_ =	strace $0x80000048  }
0xb5: {  	_ =	swait.ge [sflag:s29], $0x1  }
0xb6: {  	[sflag:s29] =	ssyncadd.s32 $0xFFFFFFFF  }
0xb7: {  	_ =	strace $0x90000048  }
0xb8: {  	_ =	sfence  }
0xb9: {  	s30 =	sld [smem:$0x0];
	_ =	sdelay $0x2  }
0xba: {  	s31 =	sshll.u32 s1, $0xD;
	s1 =	sshrl.u32 s1, $0x2  }
0xbb: {  	s3 =	sand.u32 $0x4000, s31;
	s1 =	sadd.s32 s1, s30  }
0xbc: {  	s0 =	sor.u32 s3, s0;
	s1 =	sshll.u32 s1, $0x11  }
0xbd: {  	s0 =	sor.u32 s1, s0  }
0xbe: {  	s0 =	sadd.s32 $0x8F2B, s0  }
0xbf: {  	[sflag:s0] =	ssyncadd.remote.s32 $0x1  }
0xc0: {  	_ =	sfence.sel $0xFFFF  }
0xc1: {  	[dreg:$0x0] =	wrdreg $0xFFFFFFFF;
	(pc) =	sbr.abs _section_cstart, $3  }
0xc2: {  	[dreg:$0x1] =	wrdreg $0xFFFFFFFF  }
0xc3: {  	_ =	task.clear_ibuf [dreg:s8], $0x2FFFF;
	_ =	strace $0x9FFFFFFF  }
0xc4: {  	(tm) =	ssettm $0x7FFFFFFF  }
0xc5: {  	_ =	shalt  }
tec
execute0_lowered:
.L_overlay_start_1:
0x0: {  	(tag) =	ssettag $0x1  }
0x1: {  	s0 =	srdreg.scid  }
0x2: {  	s4 =	stileid.u32;
	s1 =	rddreg [dreg:$0x0]  }
0x3: {  	s3 =	rddreg [dreg:$0x1];
	s6 =	simm.s32 $0x0;
	s9 =	simm.s32 $0x80  }
0x4: {  	s10 =	simm.s32 $0x400;
	s11 =	simm.s32 $0x2;
	s12 =	simm.s32 $0x1C00  }
0x5: {  	s7 =	simm.s32 $0xE800;
	s8 =	simm.s32 $0xF000;
	s13 =	simm.s32 $0x10000  }
0x6: {  	s14 =	simm.s32 $0x1;
	s0 =	sand.u32 $0x1, s0;
	s2 =	sshll.u32 s4, $0x1  }
0x7: {  	s15 =	simm.s32 $0x10800;
	s4 =	sshrl.u32 s4, $0x2;
	s2 =	sor.u32 s0, s2  }
0x8: {  	v3 =	vlaneseq.u32;
	s16 =	simm.s32 $0x0;
	s4 =	smul.u32 $0xE000, s4;
	s5 =	sshll.u32 s2, $0x7  }
0x9: {  	vm0 =	vmmov $0xffff;
	[smem:$0x7FF] =	sst s6;
	v2 =	vshrl.u32 v3, $0x3;
	v1 =	vmul.u32 $0x31, v3;
	s0 =	ssub.s32 $0x2, s0;
	s5 =	sand.u32 $0x380, s5  }
0xa: {  	v0 =	vand.u32 $0x7, v3;
	v3 =	vor.u32 $0x8, v3;
	s6 =	simm.s32 $0xE000;
	v2 =	vmul.u32 $0x8, v2;
	s29 =	sshrl.u32 s0, $0x1;
	s4 =	sor.u32 s4, s5  }
.Ltmp0:
0xb: {  	v4 =	vadd.s32 $0x310, v1;
	v5 =	vadd.s32 $0x620, v1;
	v6 =	vadd.s32 $0x930, v1;
	s0 =	ssub.s32 s0, s29;
	s4 =	sshrl.u32 s4, $0x3;
	(pc) =	sbr.rel .LBB2_1-.Ltmp0, $4  }
0xc: {  	_ =	strace $0x80000047;
	v7 =	vadd.s32 $0xC40, v1;
	v8 =	vadd.s32 $0xF50, v1;
	v9 =	vadd.s32 $0x1260, v1;
	s0 =	smax.u32 s0, $0x1;
	s3 =	sadd.s32 s4, s3  }
0xd: {  	v10 =	vadd.s32 $0x1570, v1;
	v11 =	vadd.s32 $0x1880, v1;
	v12 =	vadd.s32 $0x1B90, v1;
	s5 =	sshll.u32 s2, $0x5;
	[dreg:$0x6] =	wrdreg s0;
	s30 =	sadd.s32 $0xA00, s3  }
0xe: {  	v13 =	vadd.s32 $0x1EA0, v1;
	v14 =	vadd.s32 $0x21B0, v1;
	v15 =	vadd.s32 $0x24C0, v1;
	s0 =	simm.s32 $0xD000;
	s31 =	sadd.s32 $0x7A00, s3;
	[dreg:$0x4] =	wrdreg s30  }
0xf: {  	v16 =	vadd.s32 $0x27D0, v1;
	v17 =	vadd.s32 $0x2AE0, v1;
	v18 =	vadd.s32 $0x2DF0, v1;
	s4 =	simm.s32 $0xD800;
	s3 =	simm.s32 $0xF800;
	[dreg:$0x5] =	wrdreg s31  }
.LBB2_7:
0x10: {  	s16 =	rddreg [dreg:$0x7]  }
0x11: {  	s2 =	rddreg [dreg:$0x6];
	s16 =	sadd.s32 $0x1, s16  }
0x12: {  	p0 =	sne.s32 s16, s2  }
.Ltmp1:
0x13: {  	_ = 	snop;
	(pc) =	sbr.rel @!p0 .LBB2_8-.Ltmp1, $1  }
0x14: {  	_ =	sdelay $0x3  }
.LBB2_1:
0x15: {  	[dreg:$0x7] =	wrdreg s16  }
0x16: {  	s2 =	simm.s32 $0x0;
	s30 =	rddreg [dreg:$0x4]  }
0x17: {  	[tilespmem:s2], [sflag:$0x2] =	stream.strided.gather [hbm4b:s30+s9], $0x1C00, s10, s9, $0x38;
	[tilespmem:$0x13900] =	vst v63  }
0x18: {  	_ =	swait.ge [sflag:s11], $0x1C00  }
0x19: {  	[sflag:s11] =	ssyncset.done $0x0  }
.Ltmp2:
0x1a: {  	s31 =	rddreg [dreg:$0x5];
	[sflag:s11] =	ssyncadd.s32 $0xFFFFE400;
	(pc) =	sbr.rel .LBB2_2-.Ltmp2, $4  }
0x1b: {  	[tilespmem:s12], [sflag:$0x2] =	stream.strided.gather [hbm4b:s31+s9], $0x1C00, s10, s9, $0x38;
	[tilespmem:$0x13900] =	vst v63  }
0x1c: {  	_ =	swait.ge [sflag:s11], $0x1C00  }
0x1d: {  	[sflag:s11] =	ssyncset.done $0x0  }
0x1e: {  	s16 =	simm.s32 $0x0;
	[sflag:s11] =	ssyncadd.s32 $0xFFFFE400  }
.LBB2_6:
0x1f: {  	s16 =	sadd.s32 $0x1, s16  }
0x20: {  	p0 =	sne.s32 s16, $0x20  }
.Ltmp3:
0x21: {  	_ = 	snop;
	(pc) =	sbr.rel @!p0 .LBB2_7-.Ltmp3, $1  }
0x22: {  	_ =	sdelay $0x3  }
.LBB2_2:
0x23: {  	s17 =	sadd.s32 s5, s16  }
0x24: {  	p0 =	sgt.u32 s17, $0x3E7  }
.Ltmp4:
0x25: {  	_ = 	snop;
	(pc) =	sbr.rel @p0 .LBB2_6-.Ltmp4, $1  }
0x26: {  	_ =	sdelay $0x3  }
0x27: {  	s18 =	smul.u32 $0xE0, s16;
	_ =	sdelay $0x1  }
0x28: {  	v19 =	vld [tilespmem:s18+$0x0];
	_ =	sdelay $0x4  }
0x29: {  	v20 =	vshll.u32 v19, $0x1  }
0x2a: {  	v19 =	vand.u32 $0x7, v19;
	v20 =	vand.u32 $0xFFFFFFF0, v20  }
0x2b: {  	v19 =	vor.u32 v19, v20  }
0x2c: {  	v20 =	vperm.xlane v19, v0;
	_ =	sdelay $0x1  }
0x2d: {  	v19 =	vperm.xlane v19, v3;
	v20 =	vadd.s32 v2, v20;
	_ =	sdelay $0x1  }
0x2e: {  	v19 =	vadd.s32 v2, v19;
	_ =	sdelay $0x1  }
0x2f: {  	s19 =	simm.s32 $0x0;
	s2 =	simm.s32 $0x3800  }
0x30: {  	[tilespmem:s2], [sflag:$0x1] =	stream.indirect_vreg.gather [hbm4b:s1+s19], $0x80, v20, vm0, $0xb8;
	[tilespmem:$0x13900] =	vst v63  }
0x31: {  	s24 =	simm.s32 $0x4000  }
0x32: {  	[tilespmem:s24], [sflag:$0x1] =	stream.indirect_vreg.gather [hbm4b:s1+s19], $0x80, v19, vm0, $0xb8;
	[tilespmem:$0x13900] =	vst v63  }
0x33: {  	v19 =	vld [tilespmem:s18+$0x10];
	_ =	sdelay $0x4  }
0x34: {  	v20 =	vshll.u32 v19, $0x1  }
0x35: {  	v19 =	vand.u32 $0x7, v19;
	v20 =	vand.u32 $0xFFFFFFF0, v20  }
0x36: {  	v19 =	vor.u32 v19, v20  }
0x37: {  	v20 =	vperm.xlane v19, v0;
	_ =	sdelay $0x1  }
0x38: {  	v19 =	vperm.xlane v19, v3;
	v20 =	vadd.s32 v2, v20;
	_ =	sdelay $0x1  }
0x39: {  	v19 =	vadd.s32 v2, v19;
	_ =	sdelay $0x1  }
0x3a: {  	s25 =	simm.s32 $0x4800  }
0x3b: {  	[tilespmem:s25], [sflag:$0x1] =	stream.indirect_vreg.gather [hbm4b:s1+s19], $0x80, v20, vm0, $0xb8;
	[tilespmem:$0x13900] =	vst v63  }
0x3c: {  	s26 =	simm.s32 $0x5000  }
0x3d: {  	[tilespmem:s26], [sflag:$0x1] =	stream.indirect_vreg.gather [hbm4b:s1+s19], $0x80, v19, vm0, $0xb8;
	[tilespmem:$0x13900] =	vst v63  }
0x3e: {  	v19 =	vld [tilespmem:s18+$0x20];
	_ =	sdelay $0x4  }
0x3f: {  	v20 =	vshll.u32 v19, $0x1  }
0x40: {  	v19 =	vand.u32 $0x7, v19;
	v20 =	vand.u32 $0xFFFFFFF0, v20  }
0x41: {  	v19 =	vor.u32 v19, v20  }
0x42: {  	v20 =	vperm.xlane v19, v0;
	_ =	sdelay $0x1  }
0x43: {  	v19 =	vperm.xlane v19, v3;
	v20 =	vadd.s32 v2, v20;
	_ =	sdelay $0x1  }
0x44: {  	v19 =	vadd.s32 v2, v19;
	_ =	sdelay $0x1  }
0x45: {  	s31 =	simm.s32 $0x5800  }
0x46: {  	[tilespmem:s31], [sflag:$0x1] =	stream.indirect_vreg.gather [hbm4b:s1+s19], $0x80, v20, vm0, $0xb8;
	[tilespmem:$0x13900] =	vst v63  }
0x47: {  	s20 =	simm.s32 $0x6000  }
0x48: {  	[tilespmem:s20], [sflag:$0x1] =	stream.indirect_vreg.gather [hbm4b:s1+s19], $0x80, v19, vm0, $0xb8;
	[tilespmem:$0x13900] =	vst v63  }
0x49: {  	v19 =	vld [tilespmem:s18+$0x30];
	_ =	sdelay $0x4  }
0x4a: {  	v20 =	vshll.u32 v19, $0x1  }
0x4b: {  	v19 =	vand.u32 $0x7, v19;
	v20 =	vand.u32 $0xFFFFFFF0, v20  }
0x4c: {  	v19 =	vor.u32 v19, v20  }
0x4d: {  	v20 =	vperm.xlane v19, v0;
	_ =	sdelay $0x1  }
0x4e: {  	v19 =	vperm.xlane v19, v3;
	v20 =	vadd.s32 v2, v20;
	_ =	sdelay $0x1  }
0x4f: {  	v19 =	vadd.s32 v2, v19;
	_ =	sdelay $0x1  }
0x50: {  	s21 =	simm.s32 $0x6800  }
0x51: {  	[tilespmem:s21], [sflag:$0x1] =	stream.indirect_vreg.gather [hbm4b:s1+s19], $0x80, v20, vm0, $0xb8;
	[tilespmem:$0x13900] =	vst v63  }
0x52: {  	s22 =	simm.s32 $0x7000  }
0x53: {  	[tilespmem:s22], [sflag:$0x1] =	stream.indirect_vreg.gather [hbm4b:s1+s19], $0x80, v19, vm0, $0xb8;
	[tilespmem:$0x13900] =	vst v63  }
0x54: {  	v19 =	vld [tilespmem:s18+$0x40];
	_ =	sdelay $0x4  }
0x55: {  	v20 =	vshll.u32 v19, $0x1  }
0x56: {  	v19 =	vand.u32 $0x7, v19;
	v20 =	vand.u32 $0xFFFFFFF0, v20  }
0x57: {  	v19 =	vor.u32 v19, v20  }
0x58: {  	v20 =	vperm.xlane v19, v0;
	_ =	sdelay $0x1  }
0x59: {  	v19 =	vperm.xlane v19, v3;
	v20 =	vadd.s32 v2, v20;
	_ =	sdelay $0x1  }
0x5a: {  	v19 =	vadd.s32 v2, v19;
	_ =	sdelay $0x1  }
0x5b: {  	s23 =	simm.s32 $0x7800  }
0x5c: {  	[tilespmem:s23], [sflag:$0x1] =	stream.indirect_vreg.gather [hbm4b:s1+s19], $0x80, v20, vm0, $0xb8;
	[tilespmem:$0x13900] =	vst v63  }
0x5d: {  	s24 =	simm.s32 $0x8000  }
0x5e: {  	[tilespmem:s24], [sflag:$0x1] =	stream.indirect_vreg.gather [hbm4b:s1+s19], $0x80, v19, vm0, $0xb8;
	[tilespmem:$0x13900] =	vst v63  }
0x5f: {  	v19 =	vld [tilespmem:s18+$0x50];
	_ =	sdelay $0x4  }
0x60: {  	v20 =	vshll.u32 v19, $0x1  }
0x61: {  	v19 =	vand.u32 $0x7, v19;
	v20 =	vand.u32 $0xFFFFFFF0, v20  }
0x62: {  	v19 =	vor.u32 v19, v20  }
0x63: {  	v20 =	vperm.xlane v19, v0;
	_ =	sdelay $0x1  }
0x64: {  	v19 =	vperm.xlane v19, v3;
	v20 =	vadd.s32 v2, v20;
	_ =	sdelay $0x1  }
0x65: {  	v19 =	vadd.s32 v2, v19;
	_ =	sdelay $0x1  }
0x66: {  	s25 =	simm.s32 $0x8800  }
0x67: {  	[tilespmem:s25], [sflag:$0x1] =	stream.indirect_vreg.gather [hbm4b:s1+s19], $0x80, v20, vm0, $0xb8;
	[tilespmem:$0x13900] =	vst v63  }
0x68: {  	s26 =	simm.s32 $0x9000  }
0x69: {  	[tilespmem:s26], [sflag:$0x1] =	stream.indirect_vreg.gather [hbm4b:s1+s19], $0x80, v19, vm0, $0xb8;
	[tilespmem:$0x13900] =	vst v63  }
0x6a: {  	v19 =	vld [tilespmem:s18+$0x60];
	_ =	sdelay $0x4  }
0x6b: {  	v20 =	vshll.u32 v19, $0x1  }
0x6c: {  	v19 =	vand.u32 $0x7, v19;
	v20 =	vand.u32 $0xFFFFFFF0, v20  }
0x6d: {  	v19 =	vor.u32 v19, v20  }
0x6e: {  	v20 =	vperm.xlane v19, v0;
	_ =	sdelay $0x1  }
0x6f: {  	v19 =	vperm.xlane v19, v3;
	v20 =	vadd.s32 v2, v20;
	_ =	sdelay $0x1  }
0x70: {  	v19 =	vadd.s32 v2, v19;
	_ =	sdelay $0x1  }
0x71: {  	s31 =	simm.s32 $0x9800  }
0x72: {  	[tilespmem:s31], [sflag:$0x1] =	stream.indirect_vreg.gather [hbm4b:s1+s19], $0x80, v20, vm0, $0xb8;
	[tilespmem:$0x13900] =	vst v63  }
0x73: {  	s20 =	simm.s32 $0xA000  }
0x74: {  	[tilespmem:s20], [sflag:$0x1] =	stream.indirect_vreg.gather [hbm4b:s1+s19], $0x80, v19, vm0, $0xb8;
	[tilespmem:$0x13900] =	vst v63  }
0x75: {  	v19 =	vld [tilespmem:s18+$0x70];
	_ =	sdelay $0x4  }
0x76: {  	v20 =	vshll.u32 v19, $0x1  }
0x77: {  	v19 =	vand.u32 $0x7, v19;
	v20 =	vand.u32 $0xFFFFFFF0, v20  }
0x78: {  	v19 =	vor.u32 v19, v20  }
0x79: {  	v20 =	vperm.xlane v19, v0;
	_ =	sdelay $0x1  }
0x7a: {  	v19 =	vperm.xlane v19, v3;
	v20 =	vadd.s32 v2, v20;
	_ =	sdelay $0x1  }
0x7b: {  	v19 =	vadd.s32 v2, v19;
	_ =	sdelay $0x1  }
0x7c: {  	s21 =	simm.s32 $0xA800  }
0x7d: {  	[tilespmem:s21], [sflag:$0x1] =	stream.indirect_vreg.gather [hbm4b:s1+s19], $0x80, v20, vm0, $0xb8;
	[tilespmem:$0x13900] =	vst v63  }
0x7e: {  	s22 =	simm.s32 $0xB000  }
0x7f: {  	[tilespmem:s22], [sflag:$0x1] =	stream.indirect_vreg.gather [hbm4b:s1+s19], $0x80, v19, vm0, $0xb8;
	[tilespmem:$0x13900] =	vst v63  }
0x80: {  	v19 =	vld [tilespmem:s18+$0x80];
	_ =	sdelay $0x4  }
0x81: {  	v20 =	vshll.u32 v19, $0x1  }
0x82: {  	v19 =	vand.u32 $0x7, v19;
	v20 =	vand.u32 $0xFFFFFFF0, v20  }
0x83: {  	v19 =	vor.u32 v19, v20  }
0x84: {  	v20 =	vperm.xlane v19, v0;
	_ =	sdelay $0x1  }
0x85: {  	v19 =	vperm.xlane v19, v3;
	v20 =	vadd.s32 v2, v20;
	_ =	sdelay $0x1  }
0x86: {  	v19 =	vadd.s32 v2, v19;
	_ =	sdelay $0x1  }
0x87: {  	s23 =	simm.s32 $0xB800  }
0x88: {  	[tilespmem:s23], [sflag:$0x1] =	stream.indirect_vreg.gather [hbm4b:s1+s19], $0x80, v20, vm0, $0xb8;
	[tilespmem:$0x13900] =	vst v63  }
0x89: {  	s24 =	simm.s32 $0xC000  }
0x8a: {  	[tilespmem:s24], [sflag:$0x1] =	stream.indirect_vreg.gather [hbm4b:s1+s19], $0x80, v19, vm0, $0xb8;
	[tilespmem:$0x13900] =	vst v63  }
0x8b: {  	v19 =	vld [tilespmem:s18+$0x90];
	_ =	sdelay $0x4  }
0x8c: {  	v20 =	vshll.u32 v19, $0x1  }
0x8d: {  	v19 =	vand.u32 $0x7, v19;
	v20 =	vand.u32 $0xFFFFFFF0, v20  }
0x8e: {  	v19 =	vor.u32 v19, v20  }
0x8f: {  	v20 =	vperm.xlane v19, v0;
	_ =	sdelay $0x1  }
0x90: {  	v19 =	vperm.xlane v19, v3;
	v20 =	vadd.s32 v2, v20;
	_ =	sdelay $0x1  }
0x91: {  	v19 =	vadd.s32 v2, v19;
	_ =	sdelay $0x1  }
0x92: {  	s25 =	simm.s32 $0xC800  }
0x93: {  	[tilespmem:s25], [sflag:$0x1] =	stream.indirect_vreg.gather [hbm4b:s1+s19], $0x80, v20, vm0, $0xb8;
	[tilespmem:$0x13900] =	vst v63  }
0x94: {  	_ = 	snop  }
0x95: {  	[tilespmem:s0], [sflag:$0x1] =	stream.indirect_vreg.gather [hbm4b:s1+s19], $0x80, v19, vm0, $0xb8;
	[tilespmem:$0x13900] =	vst v63  }
0x96: {  	v19 =	vld [tilespmem:s18+$0xA0];
	_ =	sdelay $0x4  }
0x97: {  	v20 =	vshll.u32 v19, $0x1  }
0x98: {  	v19 =	vand.u32 $0x7, v19;
	v20 =	vand.u32 $0xFFFFFFF0, v20  }
0x99: {  	v19 =	vor.u32 v19, v20  }
0x9a: {  	v20 =	vperm.xlane v19, v0;
	_ =	sdelay $0x1  }
0x9b: {  	v19 =	vperm.xlane v19, v3;
	v20 =	vadd.s32 v2, v20;
	_ =	sdelay $0x1  }
0x9c: {  	v19 =	vadd.s32 v2, v19;
	_ =	sdelay $0x2  }
0x9d: {  	[tilespmem:s4], [sflag:$0x1] =	stream.indirect_vreg.gather [hbm4b:s1+s19], $0x80, v20, vm0, $0xb8;
	[tilespmem:$0x13900] =	vst v63  }
0x9e: {  	_ = 	snop  }
0x9f: {  	[tilespmem:s6], [sflag:$0x1] =	stream.indirect_vreg.gather [hbm4b:s1+s19], $0x80, v19, vm0, $0xb8;
	[tilespmem:$0x13900] =	vst v63  }
0xa0: {  	v19 =	vld [tilespmem:s18+$0xB0];
	_ =	sdelay $0x4  }
0xa1: {  	v20 =	vshll.u32 v19, $0x1  }
0xa2: {  	v19 =	vand.u32 $0x7, v19;
	v20 =	vand.u32 $0xFFFFFFF0, v20  }
0xa3: {  	v19 =	vor.u32 v19, v20  }
0xa4: {  	v20 =	vperm.xlane v19, v0;
	_ =	sdelay $0x1  }
0xa5: {  	v19 =	vperm.xlane v19, v3;
	v20 =	vadd.s32 v2, v20;
	_ =	sdelay $0x1  }
0xa6: {  	v19 =	vadd.s32 v2, v19;
	_ =	sdelay $0x2  }
0xa7: {  	[tilespmem:s7], [sflag:$0x1] =	stream.indirect_vreg.gather [hbm4b:s1+s19], $0x80, v20, vm0, $0xb8;
	[tilespmem:$0x13900] =	vst v63  }
0xa8: {  	_ = 	snop  }
0xa9: {  	[tilespmem:s8], [sflag:$0x1] =	stream.indirect_vreg.gather [hbm4b:s1+s19], $0x80, v19, vm0, $0xb8;
	[tilespmem:$0x13900] =	vst v63  }
0xaa: {  	v19 =	vld [tilespmem:s18+$0xC0];
	_ =	sdelay $0x4  }
0xab: {  	v20 =	vshll.u32 v19, $0x1  }
0xac: {  	v19 =	vand.u32 $0x7, v19;
	v20 =	vand.u32 $0xFFFFFFF0, v20  }
0xad: {  	v19 =	vor.u32 v19, v20  }
0xae: {  	v20 =	vperm.xlane v19, v0;
	_ =	sdelay $0x1  }
0xaf: {  	v19 =	vperm.xlane v19, v3;
	v20 =	vadd.s32 v2, v20;
	_ =	sdelay $0x1  }
0xb0: {  	v19 =	vadd.s32 v2, v19;
	_ =	sdelay $0x2  }
0xb1: {  	[tilespmem:s3], [sflag:$0x1] =	stream.indirect_vreg.gather [hbm4b:s1+s19], $0x80, v20, vm0, $0xb8;
	[tilespmem:$0x13900] =	vst v63  }
0xb2: {  	_ = 	snop  }
0xb3: {  	[tilespmem:s13], [sflag:$0x1] =	stream.indirect_vreg.gather [hbm4b:s1+s19], $0x80, v19, vm0, $0xb8;
	[tilespmem:$0x13900] =	vst v63  }
0xb4: {  	s26 =	simm.s32 $0x0;
	_ =	swait.ge [sflag:s14], $0x7000  }
0xb5: {  	s20 =	sadd.s32 $0x31, s18;
	s21 =	sadd.s32 $0x0, s18;
	[sflag:s14] =	ssyncset.done $0x0  }
0xb6: {  	s22 =	sadd.s32 $0x0, s20;
	s23 =	simm.s32 $0x0;
	v19 =	vmov s21;
	[sflag:s14] =	ssyncadd.s32 $0xFFFF9000  }
0xb7: {  	v21 =	vmov s22;
	s23 =	sand.u32 $0x380, s23;
	s21 =	sadd.s32 $0x62, s18;
	_ =	swait.ge [sflag:s14], $0x6000  }
0xb8: {  	s25 =	sand.u32 $0x3800, s26;
	s24 =	sadd.s32 $0x0, s21;
	[sflag:s14] =	ssyncset.done $0x0  }
0xb9: {  	s22 =	sadd.s32 $0x93, s18;
	v22 =	vmov s24;
	s24 =	sor.u32 s23, s25;
	[sflag:s14] =	ssyncadd.s32 $0xFFFFA000  }
0xba: {  	s2 =	simm.s32 $0x3100;
	s31 =	sadd.s32 $0x0, s22;
	s26 =	simm.s32 $0x1880;
	v23 =	vld [tilespmem:s24+$0x3800]  }
0xbb: {  	v24 =	vmov s31;
	s26 =	sand.u32 $0x380, s26;
	s25 =	sand.u32 $0x7800, s2;
	v20 =	vld.idx.msk [tilespmem:v19+s12+$0x0], $0xffff  }
0xbc: {  	s28 =	simm.s32 $0x6200;
	s31 =	simm.s32 $0x3100;
	s25 =	sor.u32 s26, s25;
	v21 =	vld.idx.msk [tilespmem:v21+s12+$0x0], $0xffff  }
0xbd: {  	s28 =	sand.u32 $0xF800, s28;
	s26 =	sand.u32 $0x380, s31;
	v25 =	vld [tilespmem:s25+$0x3800]  }
0xbe: {  	s29 =	simm.s32 $0x4980;
	s23 =	simm.s32 $0x9300;
	s26 =	sor.u32 s26, s28;
	v19 =	vld.idx.msk [tilespmem:v22+s12+$0x0], $0xffff  }
0xbf: {  	s29 =	sand.u32 $0x380, s29;
	s28 =	sand.u32 $0xF800, s23;
	v26 =	vld [tilespmem:s26+$0x3800]  }
0xc0: {  	s28 =	sor.u32 s29, s28;
	v22 =	vld.idx.msk [tilespmem:v24+s12+$0x0], $0xffff  }
0xc1: {  	v24 =	vld [tilespmem:s28+$0x3800]  }
0xc2: {  	v23 =	vmul.f32 v23, v20;
	v25 =	vmul.f32 v25, v21;
	_ =	sdelay $0x1  }
0xc3: {  	v26 =	vmul.f32 v26, v19;
	v23 =	vadd.f32 v25, v23  }
0xc4: {  	v25 =	vadd.s32 s19, v1  }
0xc5: {  	v24 =	vmul.f32 v24, v22;
	v23 =	vadd.f32 v26, v23;
	_ =	sdelay $0x1  }
0xc6: {  	v23 =	vadd.f32 v24, v23;
	_ =	sdelay $0x1  }
0xc7: {  	[tilespmem:v25+s15+$0x0] =	vst.idx.msk $0xffff, v23  }
0xc8: {  	v23 =	vld [tilespmem:s24+$0x3810]  }
0xc9: {  	v24 =	vld [tilespmem:s25+$0x3810];
	_ =	sdelay $0x1  }
0xca: {  	v25 =	vld [tilespmem:s26+$0x3810];
	_ =	sdelay $0x1  }
0xcb: {  	v26 =	vld [tilespmem:s28+$0x3810]  }
0xcc: {  	v23 =	vmul.f32 v23, v20;
	v24 =	vmul.f32 v24, v21;
	_ =	sdelay $0x1  }
0xcd: {  	v25 =	vmul.f32 v25, v19;
	v23 =	vadd.f32 v24, v23  }
0xce: {  	v24 =	vadd.s32 s19, v4  }
0xcf: {  	v23 =	vadd.f32 v25, v23;
	v25 =	vmul.f32 v26, v22;
	_ =	sdelay $0x1  }
0xd0: {  	v23 =	vadd.f32 v25, v23;
	_ =	sdelay $0x1  }
0xd1: {  	[tilespmem:v24+s15+$0x0] =	vst.idx.msk $0xffff, v23  }
0xd2: {  	v23 =	vld [tilespmem:s24+$0x3820]  }
0xd3: {  	v24 =	vld [tilespmem:s25+$0x3820];
	_ =	sdelay $0x1  }
0xd4: {  	v25 =	vld [tilespmem:s26+$0x3820];
	_ =	sdelay $0x1  }
0xd5: {  	v26 =	vld [tilespmem:s28+$0x3820]  }
0xd6: {  	v23 =	vmul.f32 v23, v20;
	v24 =	vmul.f32 v24, v21;
	_ =	sdelay $0x1  }
0xd7: {  	v23 =	vadd.f32 v24, v23;
	v24 =	vmul.f32 v25, v19  }
0xd8: {  	v25 =	vadd.s32 s19, v5  }
0xd9: {  	v23 =	vadd.f32 v24, v23;
	v24 =	vmul.f32 v26, v22;
	_ =	sdelay $0x1  }
0xda: {  	v23 =	vadd.f32 v24, v23;
	_ =	sdelay $0x1  }
0xdb: {  	[tilespmem:v25+s15+$0x0] =	vst.idx.msk $0xffff, v23  }
0xdc: {  	v23 =	vld [tilespmem:s24+$0x3830]  }
0xdd: {  	v24 =	vld [tilespmem:s25+$0x3830];
	_ =	sdelay $0x1  }
0xde: {  	v25 =	vld [tilespmem:s26+$0x3830];
	_ =	sdelay $0x1  }
0xdf: {  	v26 =	vld [tilespmem:s28+$0x3830]  }
0xe0: {  	v23 =	vmul.f32 v23, v20;
	v24 =	vmul.f32 v24, v21;
	_ =	sdelay $0x1  }
0xe1: {  	v23 =	vadd.f32 v24, v23;
	v24 =	vmul.f32 v25, v19  }
0xe2: {  	v25 =	vadd.s32 s19, v6  }
0xe3: {  	v23 =	vadd.f32 v24, v23;
	v24 =	vmul.f32 v26, v22;
	_ =	sdelay $0x1  }
0xe4: {  	v23 =	vadd.f32 v24, v23;
	_ =	sdelay $0x1  }
0xe5: {  	[tilespmem:v25+s15+$0x0] =	vst.idx.msk $0xffff, v23  }
0xe6: {  	v23 =	vld [tilespmem:s24+$0x3840]  }
0xe7: {  	v24 =	vld [tilespmem:s25+$0x3840];
	_ =	sdelay $0x1  }
0xe8: {  	v25 =	vld [tilespmem:s26+$0x3840];
	_ =	sdelay $0x1  }
0xe9: {  	v26 =	vld [tilespmem:s28+$0x3840]  }
0xea: {  	v23 =	vmul.f32 v23, v20;
	v24 =	vmul.f32 v24, v21;
	_ =	sdelay $0x1  }
0xeb: {  	v25 =	vmul.f32 v25, v19;
	v23 =	vadd.f32 v24, v23  }
0xec: {  	v24 =	vadd.s32 s19, v7  }
0xed: {  	v26 =	vmul.f32 v26, v22;
	v23 =	vadd.f32 v25, v23;
	_ =	sdelay $0x1  }
0xee: {  	v23 =	vadd.f32 v26, v23;
	_ =	sdelay $0x1  }
0xef: {  	[tilespmem:v24+s15+$0x0] =	vst.idx.msk $0xffff, v23  }
0xf0: {  	v23 =	vld [tilespmem:s24+$0x3850]  }
0xf1: {  	v24 =	vld [tilespmem:s25+$0x3850];
	_ =	sdelay $0x1  }
0xf2: {  	v25 =	vld [tilespmem:s26+$0x3850];
	_ =	sdelay $0x1  }
0xf3: {  	v26 =	vld [tilespmem:s28+$0x3850]  }
0xf4: {  	v23 =	vmul.f32 v23, v20;
	v24 =	vmul.f32 v24, v21;
	_ =	sdelay $0x1  }
0xf5: {  	v25 =	vmul.f32 v25, v19;
	v23 =	vadd.f32 v24, v23  }
0xf6: {  	v24 =	vadd.s32 s19, v8  }
0xf7: {  	v26 =	vmul.f32 v26, v22;
	v23 =	vadd.f32 v25, v23;
	_ =	sdelay $0x1  }
0xf8: {  	v23 =	vadd.f32 v26, v23;
	_ =	sdelay $0x1  }
0xf9: {  	[tilespmem:v24+s15+$0x0] =	vst.idx.msk $0xffff, v23  }
0xfa: {  	v23 =	vld [tilespmem:s24+$0x3860]  }
0xfb: {  	v24 =	vld [tilespmem:s25+$0x3860];
	_ =	sdelay $0x1  }
0xfc: {  	v25 =	vld [tilespmem:s26+$0x3860];
	_ =	sdelay $0x1  }
0xfd: {  	v26 =	vld [tilespmem:s28+$0x3860]  }
0xfe: {  	v23 =	vmul.f32 v23, v20;
	v24 =	vmul.f32 v24, v21;
	_ =	sdelay $0x1  }
0xff: {  	v25 =	vmul.f32 v25, v19;
	v23 =	vadd.f32 v24, v23  }
0x100: {  	v24 =	vadd.s32 s19, v9  }
0x101: {  	v26 =	vmul.f32 v26, v22;
	v23 =	vadd.f32 v25, v23;
	_ =	sdelay $0x1  }
0x102: {  	v23 =	vadd.f32 v26, v23;
	_ =	sdelay $0x1  }
0x103: {  	[tilespmem:v24+s15+$0x0] =	vst.idx.msk $0xffff, v23  }
0x104: {  	v23 =	vld [tilespmem:s24+$0x3870]  }
0x105: {  	v24 =	vld [tilespmem:s25+$0x3870];
	_ =	sdelay $0x1  }
0x106: {  	v25 =	vld [tilespmem:s26+$0x3870];
	_ =	sdelay $0x1  }
0x107: {  	v26 =	vld [tilespmem:s28+$0x3870]  }
0x108: {  	v23 =	vmul.f32 v23, v20;
	v24 =	vmul.f32 v24, v21;
	_ =	sdelay $0x1  }
0x109: {  	v25 =	vmul.f32 v25, v19;
	v23 =	vadd.f32 v24, v23  }
0x10a: {  	v24 =	vadd.s32 s19, v10  }
0x10b: {  	v26 =	vmul.f32 v26, v22;
	v23 =	vadd.f32 v25, v23;
	_ =	sdelay $0x1  }
0x10c: {  	v23 =	vadd.f32 v26, v23;
	_ =	sdelay $0x1  }
0x10d: {  	[tilespmem:v24+s15+$0x0] =	vst.idx.msk $0xffff, v23  }
0x10e: {  	v23 =	vld [tilespmem:s24+$0x3C00]  }
0x10f: {  	v24 =	vld [tilespmem:s25+$0x3C00];
	_ =	sdelay $0x1  }
0x110: {  	v25 =	vld [tilespmem:s26+$0x3C00];
	_ =	sdelay $0x1  }
0x111: {  	v26 =	vld [tilespmem:s28+$0x3C00]  }
0x112: {  	v23 =	vmul.f32 v23, v20;
	v24 =	vmul.f32 v24, v21;
	_ =	sdelay $0x1  }
0x113: {  	v25 =	vmul.f32 v25, v19;
	v23 =	vadd.f32 v24, v23  }
0x114: {  	v24 =	vadd.s32 s19, v11  }
0x115: {  	v23 =	vadd.f32 v25, v23;
	v25 =	vmul.f32 v26, v22;
	_ =	sdelay $0x1  }
0x116: {  	v23 =	vadd.f32 v25, v23;
	_ =	sdelay $0x1  }
0x117: {  	[tilespmem:v24+s15+$0x0] =	vst.idx.msk $0xffff, v23  }
0x118: {  	v23 =	vld [tilespmem:s24+$0x3C10]  }
0x119: {  	v24 =	vld [tilespmem:s25+$0x3C10];
	_ =	sdelay $0x1  }
0x11a: {  	v25 =	vld [tilespmem:s26+$0x3C10];
	_ =	sdelay $0x1  }
0x11b: {  	v26 =	vld [tilespmem:s28+$0x3C10]  }
0x11c: {  	v23 =	vmul.f32 v23, v20;
	v24 =	vmul.f32 v24, v21;
	_ =	sdelay $0x1  }
0x11d: {  	v25 =	vmul.f32 v25, v19;
	v23 =	vadd.f32 v24, v23  }
0x11e: {  	v24 =	vadd.s32 s19, v12  }
0x11f: {  	v26 =	vmul.f32 v26, v22;
	v23 =	vadd.f32 v25, v23;
	_ =	sdelay $0x1  }
0x120: {  	v23 =	vadd.f32 v26, v23;
	_ =	sdelay $0x1  }
0x121: {  	[tilespmem:v24+s15+$0x0] =	vst.idx.msk $0xffff, v23  }
0x122: {  	v23 =	vld [tilespmem:s24+$0x3C20]  }
0x123: {  	v24 =	vld [tilespmem:s25+$0x3C20];
	_ =	sdelay $0x1  }
0x124: {  	v25 =	vld [tilespmem:s26+$0x3C20];
	_ =	sdelay $0x1  }
0x125: {  	v26 =	vld [tilespmem:s28+$0x3C20]  }
0x126: {  	v23 =	vmul.f32 v23, v20;
	v24 =	vmul.f32 v24, v21;
	_ =	sdelay $0x1  }
0x127: {  	v25 =	vmul.f32 v25, v19;
	v23 =	vadd.f32 v24, v23  }
0x128: {  	v24 =	vadd.s32 s19, v13  }
0x129: {  	v26 =	vmul.f32 v26, v22;
	v23 =	vadd.f32 v25, v23;
	_ =	sdelay $0x1  }
0x12a: {  	v23 =	vadd.f32 v26, v23;
	_ =	sdelay $0x1  }
0x12b: {  	[tilespmem:v24+s15+$0x0] =	vst.idx.msk $0xffff, v23  }
0x12c: {  	v23 =	vld [tilespmem:s24+$0x3C30]  }
0x12d: {  	v24 =	vld [tilespmem:s25+$0x3C30];
	_ =	sdelay $0x1  }
0x12e: {  	v25 =	vld [tilespmem:s26+$0x3C30];
	_ =	sdelay $0x1  }
0x12f: {  	v26 =	vld [tilespmem:s28+$0x3C30]  }
0x130: {  	v23 =	vmul.f32 v23, v20;
	v24 =	vmul.f32 v24, v21;
	_ =	sdelay $0x1  }
0x131: {  	v23 =	vadd.f32 v24, v23;
	v24 =	vmul.f32 v25, v19  }
0x132: {  	v25 =	vadd.s32 s19, v14  }
0x133: {  	v26 =	vmul.f32 v26, v22;
	v23 =	vadd.f32 v24, v23;
	_ =	sdelay $0x1  }
0x134: {  	v23 =	vadd.f32 v26, v23;
	_ =	sdelay $0x1  }
0x135: {  	[tilespmem:v25+s15+$0x0] =	vst.idx.msk $0xffff, v23  }
0x136: {  	v23 =	vld [tilespmem:s24+$0x3C40]  }
0x137: {  	v24 =	vld [tilespmem:s25+$0x3C40];
	_ =	sdelay $0x1  }
0x138: {  	v25 =	vld [tilespmem:s26+$0x3C40];
	_ =	sdelay $0x1  }
0x139: {  	v26 =	vld [tilespmem:s28+$0x3C40]  }
0x13a: {  	v23 =	vmul.f32 v23, v20;
	v24 =	vmul.f32 v24, v21;
	_ =	sdelay $0x1  }
0x13b: {  	v25 =	vmul.f32 v25, v19;
	v23 =	vadd.f32 v24, v23  }
0x13c: {  	v24 =	vadd.s32 s19, v15  }
0x13d: {  	v26 =	vmul.f32 v26, v22;
	v23 =	vadd.f32 v25, v23;
	_ =	sdelay $0x1  }
0x13e: {  	v23 =	vadd.f32 v26, v23;
	_ =	sdelay $0x1  }
0x13f: {  	[tilespmem:v24+s15+$0x0] =	vst.idx.msk $0xffff, v23  }
0x140: {  	v23 =	vld [tilespmem:s24+$0x3C50]  }
0x141: {  	v24 =	vld [tilespmem:s25+$0x3C50];
	_ =	sdelay $0x1  }
0x142: {  	v25 =	vld [tilespmem:s26+$0x3C50];
	_ =	sdelay $0x1  }
0x143: {  	v26 =	vld [tilespmem:s28+$0x3C50]  }
0x144: {  	v23 =	vmul.f32 v23, v20;
	v24 =	vmul.f32 v24, v21;
	_ =	sdelay $0x1  }
0x145: {  	v25 =	vmul.f32 v25, v19;
	v23 =	vadd.f32 v24, v23  }
0x146: {  	v24 =	vadd.s32 s19, v16  }
0x147: {  	v26 =	vmul.f32 v26, v22;
	v23 =	vadd.f32 v25, v23;
	_ =	sdelay $0x1  }
0x148: {  	v23 =	vadd.f32 v26, v23;
	_ =	sdelay $0x1  }
0x149: {  	[tilespmem:v24+s15+$0x0] =	vst.idx.msk $0xffff, v23  }
0x14a: {  	v23 =	vld [tilespmem:s24+$0x3C60]  }
0x14b: {  	v24 =	vld [tilespmem:s25+$0x3C60];
	_ =	sdelay $0x1  }
0x14c: {  	v25 =	vld [tilespmem:s26+$0x3C60];
	_ =	sdelay $0x1  }
0x14d: {  	v26 =	vld [tilespmem:s28+$0x3C60]  }
0x14e: {  	v23 =	vmul.f32 v23, v20;
	v24 =	vmul.f32 v24, v21;
	_ =	sdelay $0x1  }
0x14f: {  	v25 =	vmul.f32 v25, v19;
	v27 =	vadd.f32 v24, v23  }
0x150: {  	v23 =	vadd.s32 s19, v17  }
0x151: {  	s30 =	simm.s32 $0x4A00;
	s29 =	simm.s32 $0x0;
	v24 =	vmul.f32 v26, v22;
	v25 =	vadd.f32 v25, v27  }
.LBB2_4:
0x152: {  	p0 =	sne.s32 s30, $0x6180;
	s19 =	sadd.s32 $0x1, s19;
	s23 =	sadd.s32 $0x100, s23  }
0x153: {  	s31 =	smov.u32 s30;
	s30 =	sadd.s32 $0x80, s30;
	v24 =	vadd.f32 v24, v25;
	_ =	sdelay $0x1  }
0x154: {  	[tilespmem:v23+s15+$0x0] =	vst.idx.msk $0xffff, v24  }
0x155: {  	v23 =	vld [tilespmem:s24+$0x3C70]  }
0x156: {  	v24 =	vld [tilespmem:s25+$0x3C70]  }
0x157: {  	v25 =	vld [tilespmem:s26+$0x3C70]  }
0x158: {  	v26 =	vld [tilespmem:s28+$0x3C70];
	_ =	sdelay $0x1  }
0x159: {  	v20 =	vmul.f32 v23, v20  }
0x15a: {  	v21 =	vmul.f32 v24, v21  }
0x15b: {  	v19 =	vmul.f32 v25, v19  }
0x15c: {  	v20 =	vadd.f32 v21, v20;
	v21 =	vmul.f32 v26, v22;
	v22 =	vadd.s32 s29, v18;
	s29 =	smov.u32 s19  }
0x15d: {  	s24 =	sadd.s32 s21, s19  }
0x15e: {  	v23 =	vmov s24;
	v19 =	vadd.f32 v19, v20  }
0x15f: {  	s25 =	sadd.s32 s20, s19;
	s24 =	sadd.s32 s18, s19  }
0x160: {  	v24 =	vmov s25;
	v20 =	vmov s24;
	v19 =	vadd.f32 v21, v19  }
0x161: {  	s25 =	sadd.s32 $0xFFFFB680, s31;
	s24 =	sadd.s32 $0xFFFF6D00, s23  }
0x162: {  	s25 =	sand.u32 $0x380, s25;
	s24 =	sand.u32 $0x3800, s24;
	[tilespmem:v22+s15+$0x0] =	vst.idx.msk $0xffff, v19  }
0x163: {  	s26 =	sadd.s32 s22, s19;
	s24 =	sor.u32 s25, s24;
	v19 =	vld.idx.msk [tilespmem:v23+s12+$0x0], $0xffff  }
0x164: {  	s28 =	sadd.s32 $0xFFFFE780, s31;
	s25 =	sadd.s32 $0xFFFF9E00, s23;
	v22 =	vmov s26;
	s26 =	sadd.s32 $0xFFFFCF00, s31;
	v23 =	vld [tilespmem:s24+$0x3800]  }
0x165: {  	s2 =	sadd.s32 $0xFFFFCF00, s23;
	s25 =	sand.u32 $0x7800, s25;
	s26 =	sand.u32 $0x380, s26;
	v20 =	vld.idx.msk [tilespmem:v20+s12+$0x0], $0xffff  }
0x166: {  	s2 =	sand.u32 $0xF800, s2;
	s25 =	sor.u32 s26, s25;
	s26 =	sand.u32 $0x380, s28;
	v21 =	vld.idx.msk [tilespmem:v24+s12+$0x0], $0xffff  }
0x167: {  	s26 =	sor.u32 s26, s2;
	v24 =	vld [tilespmem:s25+$0x3800]  }
0x168: {  	s28 =	sand.u32 $0x380, s31;
	s2 =	sand.u32 $0xF800, s23;
	v25 =	vld [tilespmem:s26+$0x3800]  }
0x169: {  	s28 =	sor.u32 s28, s2;
	v22 =	vld.idx.msk [tilespmem:v22+s12+$0x0], $0xffff  }
0x16a: {  	v26 =	vld [tilespmem:s28+$0x3800]  }
0x16b: {  	v23 =	vmul.f32 v23, v20  }
0x16c: {  	v24 =	vmul.f32 v24, v21  }
0x16d: {  	v25 =	vmul.f32 v25, v19  }
0x16e: {  	v23 =	vadd.f32 v24, v23;
	v24 =	vadd.s32 s19, v1  }
0x16f: {  	v26 =	vmul.f32 v26, v22  }
0x170: {  	v23 =	vadd.f32 v25, v23;
	_ =	sdelay $0x1  }
0x171: {  	v23 =	vadd.f32 v26, v23;
	_ =	sdelay $0x1  }
0x172: {  	[tilespmem:v24+s15+$0x0] =	vst.idx.msk $0xffff, v23  }
0x173: {  	v23 =	vld [tilespmem:s26+$0x3810]  }
0x174: {  	v24 =	vld [tilespmem:s24+$0x3810]  }
0x175: {  	v25 =	vld [tilespmem:s25+$0x3810];
	_ =	sdelay $0x3  }
0x176: {  	v23 =	vmul.f32 v23, v19;
	v24 =	vmul.f32 v24, v20;
	v26 =	vld [tilespmem:s28+$0x3810]  }
0x177: {  	v25 =	vmul.f32 v25, v21;
	_ =	sdelay $0x1  }
0x178: {  	v24 =	vadd.f32 v25, v24  }
0x179: {  	v25 =	vadd.s32 s19, v4  }
0x17a: {  	v23 =	vadd.f32 v23, v24;
	v24 =	vmul.f32 v26, v22;
	_ =	sdelay $0x1  }
0x17b: {  	v23 =	vadd.f32 v24, v23;
	_ =	sdelay $0x1  }
0x17c: {  	[tilespmem:v25+s15+$0x0] =	vst.idx.msk $0xffff, v23  }
0x17d: {  	v23 =	vld [tilespmem:s24+$0x3820]  }
0x17e: {  	v24 =	vld [tilespmem:s25+$0x3820];
	_ =	sdelay $0x1  }
0x17f: {  	v25 =	vld [tilespmem:s26+$0x3820];
	_ =	sdelay $0x1  }
0x180: {  	v23 =	vmul.f32 v23, v20;
	v26 =	vld [tilespmem:s28+$0x3820]  }
0x181: {  	v24 =	vmul.f32 v24, v21;
	_ =	sdelay $0x1  }
0x182: {  	v23 =	vadd.f32 v24, v23;
	v24 =	vmul.f32 v25, v19  }
0x183: {  	v25 =	vadd.s32 s19, v5  }
0x184: {  	v23 =	vadd.f32 v24, v23;
	v24 =	vmul.f32 v26, v22;
	_ =	sdelay $0x1  }
0x185: {  	v23 =	vadd.f32 v24, v23;
	_ =	sdelay $0x1  }
0x186: {  	[tilespmem:v25+s15+$0x0] =	vst.idx.msk $0xffff, v23  }
0x187: {  	v23 =	vld [tilespmem:s24+$0x3830]  }
0x188: {  	v24 =	vld [tilespmem:s25+$0x3830]  }
0x189: {  	v25 =	vld [tilespmem:s26+$0x3830]  }
0x18a: {  	v26 =	vld [tilespmem:s28+$0x3830];
	_ =	sdelay $0x1  }
0x18b: {  	v23 =	vmul.f32 v23, v20  }
0x18c: {  	v24 =	vmul.f32 v24, v21;
	_ =	sdelay $0x1  }
0x18d: {  	v23 =	vadd.f32 v24, v23;
	v24 =	vmul.f32 v25, v19  }
0x18e: {  	v25 =	vadd.s32 s19, v6  }
0x18f: {  	v23 =	vadd.f32 v24, v23;
	v24 =	vmul.f32 v26, v22;
	_ =	sdelay $0x1  }
0x190: {  	v23 =	vadd.f32 v24, v23;
	_ =	sdelay $0x1  }
0x191: {  	[tilespmem:v25+s15+$0x0] =	vst.idx.msk $0xffff, v23  }
0x192: {  	v23 =	vld [tilespmem:s24+$0x3840]  }
0x193: {  	v24 =	vld [tilespmem:s25+$0x3840]  }
0x194: {  	v25 =	vld [tilespmem:s26+$0x3840]  }
0x195: {  	v27 =	vadd.s32 s19, v7;
	v26 =	vld [tilespmem:s28+$0x3840];
	_ =	sdelay $0x1  }
0x196: {  	v23 =	vmul.f32 v23, v20  }
0x197: {  	v24 =	vmul.f32 v24, v21  }
0x198: {  	v25 =	vmul.f32 v25, v19  }
0x199: {  	v23 =	vadd.f32 v24, v23  }
0x19a: {  	v24 =	vmul.f32 v26, v22  }
0x19b: {  	v23 =	vadd.f32 v25, v23;
	_ =	sdelay $0x1  }
0x19c: {  	v23 =	vadd.f32 v24, v23;
	_ =	sdelay $0x1  }
0x19d: {  	[tilespmem:v27+s15+$0x0] =	vst.idx.msk $0xffff, v23  }
0x19e: {  	v23 =	vld [tilespmem:s28+$0x3850]  }
0x19f: {  	v24 =	vld [tilespmem:s24+$0x3850]  }
0x1a0: {  	v25 =	vld [tilespmem:s25+$0x3850]  }
0x1a1: {  	v26 =	vld [tilespmem:s26+$0x3850];
	_ =	sdelay $0x1  }
0x1a2: {  	v23 =	vmul.f32 v23, v22  }
0x1a3: {  	v24 =	vmul.f32 v24, v20  }
0x1a4: {  	v25 =	vmul.f32 v25, v21  }
0x1a5: {  	v26 =	vmul.f32 v26, v19  }
0x1a6: {  	v24 =	vadd.f32 v25, v24  }
0x1a7: {  	v25 =	vadd.s32 s19, v8  }
0x1a8: {  	v24 =	vadd.f32 v26, v24;
	_ =	sdelay $0x1  }
0x1a9: {  	v23 =	vadd.f32 v23, v24;
	_ =	sdelay $0x1  }
0x1aa: {  	[tilespmem:v25+s15+$0x0] =	vst.idx.msk $0xffff, v23  }
0x1ab: {  	v23 =	vld [tilespmem:s24+$0x3860]  }
0x1ac: {  	v24 =	vld [tilespmem:s25+$0x3860]  }
0x1ad: {  	v25 =	vld [tilespmem:s26+$0x3860]  }
0x1ae: {  	v26 =	vld [tilespmem:s28+$0x3860];
	_ =	sdelay $0x1  }
0x1af: {  	v23 =	vmul.f32 v23, v20  }
0x1b0: {  	v24 =	vmul.f32 v24, v21  }
0x1b1: {  	v25 =	vmul.f32 v25, v19  }
0x1b2: {  	v23 =	vadd.f32 v24, v23;
	v24 =	vmul.f32 v26, v22  }
0x1b3: {  	v26 =	vadd.s32 s19, v9  }
0x1b4: {  	v23 =	vadd.f32 v25, v23;
	_ =	sdelay $0x1  }
0x1b5: {  	v23 =	vadd.f32 v24, v23;
	_ =	sdelay $0x1  }
0x1b6: {  	[tilespmem:v26+s15+$0x0] =	vst.idx.msk $0xffff, v23  }
0x1b7: {  	v23 =	vld [tilespmem:s24+$0x3870]  }
0x1b8: {  	v24 =	vld [tilespmem:s25+$0x3870]  }
0x1b9: {  	v25 =	vld [tilespmem:s26+$0x3870]  }
0x1ba: {  	v26 =	vld [tilespmem:s28+$0x3870];
	_ =	sdelay $0x1  }
0x1bb: {  	v23 =	vmul.f32 v23, v20  }
0x1bc: {  	v24 =	vmul.f32 v24, v21  }
0x1bd: {  	v25 =	vmul.f32 v25, v19  }
0x1be: {  	v23 =	vadd.f32 v24, v23;
	v24 =	vmul.f32 v26, v22  }
0x1bf: {  	v26 =	vadd.s32 s19, v10  }
0x1c0: {  	v23 =	vadd.f32 v25, v23;
	_ =	sdelay $0x1  }
0x1c1: {  	v23 =	vadd.f32 v24, v23;
	_ =	sdelay $0x1  }
0x1c2: {  	[tilespmem:v26+s15+$0x0] =	vst.idx.msk $0xffff, v23  }
0x1c3: {  	v23 =	vld [tilespmem:s24+$0x3C00]  }
0x1c4: {  	v24 =	vld [tilespmem:s25+$0x3C00]  }
0x1c5: {  	v25 =	vld [tilespmem:s26+$0x3C00];
	_ =	sdelay $0x2  }
0x1c6: {  	v23 =	vmul.f32 v23, v20;
	v26 =	vld [tilespmem:s28+$0x3C00]  }
0x1c7: {  	v24 =	vmul.f32 v24, v21  }
0x1c8: {  	v25 =	vmul.f32 v25, v19  }
0x1c9: {  	v23 =	vadd.f32 v24, v23  }
0x1ca: {  	v24 =	vadd.s32 s19, v11  }
0x1cb: {  	v23 =	vadd.f32 v25, v23;
	v25 =	vmul.f32 v26, v22;
	_ =	sdelay $0x1  }
0x1cc: {  	v23 =	vadd.f32 v25, v23;
	_ =	sdelay $0x1  }
0x1cd: {  	[tilespmem:v24+s15+$0x0] =	vst.idx.msk $0xffff, v23  }
0x1ce: {  	v23 =	vld [tilespmem:s24+$0x3C10]  }
0x1cf: {  	v24 =	vld [tilespmem:s25+$0x3C10]  }
0x1d0: {  	v25 =	vld [tilespmem:s26+$0x3C10]  }
0x1d1: {  	v26 =	vld [tilespmem:s28+$0x3C10];
	_ =	sdelay $0x1  }
0x1d2: {  	v23 =	vmul.f32 v23, v20  }
0x1d3: {  	v24 =	vmul.f32 v24, v21  }
0x1d4: {  	v25 =	vmul.f32 v25, v19  }
0x1d5: {  	v23 =	vadd.f32 v24, v23;
	v24 =	vmul.f32 v26, v22  }
0x1d6: {  	v26 =	vadd.s32 s19, v12  }
0x1d7: {  	v23 =	vadd.f32 v25, v23;
	_ =	sdelay $0x1  }
0x1d8: {  	v23 =	vadd.f32 v24, v23;
	_ =	sdelay $0x1  }
0x1d9: {  	[tilespmem:v26+s15+$0x0] =	vst.idx.msk $0xffff, v23  }
0x1da: {  	v23 =	vld [tilespmem:s24+$0x3C20]  }
0x1db: {  	v24 =	vld [tilespmem:s25+$0x3C20]  }
0x1dc: {  	v25 =	vld [tilespmem:s26+$0x3C20]  }
0x1dd: {  	v26 =	vld [tilespmem:s28+$0x3C20];
	_ =	sdelay $0x1  }
0x1de: {  	v23 =	vmul.f32 v23, v20  }
0x1df: {  	v24 =	vmul.f32 v24, v21  }
0x1e0: {  	v25 =	vmul.f32 v25, v19  }
0x1e1: {  	v23 =	vadd.f32 v24, v23;
	v24 =	vmul.f32 v26, v22  }
0x1e2: {  	v26 =	vadd.s32 s19, v13  }
0x1e3: {  	v23 =	vadd.f32 v25, v23;
	_ =	sdelay $0x1  }
0x1e4: {  	v23 =	vadd.f32 v24, v23;
	_ =	sdelay $0x1  }
0x1e5: {  	[tilespmem:v26+s15+$0x0] =	vst.idx.msk $0xffff, v23  }
0x1e6: {  	v23 =	vld [tilespmem:s24+$0x3C30]  }
0x1e7: {  	v24 =	vld [tilespmem:s25+$0x3C30]  }
0x1e8: {  	v25 =	vld [tilespmem:s26+$0x3C30]  }
0x1e9: {  	v26 =	vld [tilespmem:s28+$0x3C30];
	_ =	sdelay $0x1  }
0x1ea: {  	v23 =	vmul.f32 v23, v20  }
0x1eb: {  	v24 =	vmul.f32 v24, v21;
	_ =	sdelay $0x1  }
0x1ec: {  	v23 =	vadd.f32 v24, v23;
	v24 =	vmul.f32 v25, v19;
	v25 =	vmul.f32 v26, v22  }
0x1ed: {  	v26 =	vadd.s32 s19, v14  }
0x1ee: {  	v23 =	vadd.f32 v24, v23;
	_ =	sdelay $0x1  }
0x1ef: {  	v23 =	vadd.f32 v25, v23;
	_ =	sdelay $0x1  }
0x1f0: {  	[tilespmem:v26+s15+$0x0] =	vst.idx.msk $0xffff, v23  }
0x1f1: {  	v23 =	vld [tilespmem:s24+$0x3C40]  }
0x1f2: {  	v24 =	vld [tilespmem:s25+$0x3C40]  }
0x1f3: {  	v25 =	vld [tilespmem:s26+$0x3C40]  }
0x1f4: {  	v26 =	vld [tilespmem:s28+$0x3C40];
	_ =	sdelay $0x1  }
0x1f5: {  	v23 =	vmul.f32 v23, v20  }
0x1f6: {  	v24 =	vmul.f32 v24, v21  }
0x1f7: {  	v25 =	vmul.f32 v25, v19  }
0x1f8: {  	v23 =	vadd.f32 v24, v23;
	v24 =	vmul.f32 v26, v22  }
0x1f9: {  	v26 =	vadd.s32 s19, v15  }
0x1fa: {  	v23 =	vadd.f32 v25, v23;
	_ =	sdelay $0x1  }
0x1fb: {  	v23 =	vadd.f32 v24, v23;
	_ =	sdelay $0x1  }
0x1fc: {  	[tilespmem:v26+s15+$0x0] =	vst.idx.msk $0xffff, v23  }
0x1fd: {  	v23 =	vld [tilespmem:s24+$0x3C50]  }
0x1fe: {  	v24 =	vld [tilespmem:s25+$0x3C50]  }
0x1ff: {  	v25 =	vld [tilespmem:s26+$0x3C50]  }
0x200: {  	v26 =	vld [tilespmem:s28+$0x3C50];
	_ =	sdelay $0x1  }
0x201: {  	v23 =	vmul.f32 v23, v20  }
0x202: {  	v24 =	vmul.f32 v24, v21  }
0x203: {  	v25 =	vmul.f32 v25, v19  }
0x204: {  	v23 =	vadd.f32 v24, v23;
	v24 =	vmul.f32 v26, v22  }
0x205: {  	v26 =	vadd.s32 s19, v16  }
0x206: {  	v23 =	vadd.f32 v25, v23;
	_ =	sdelay $0x1  }
0x207: {  	v23 =	vadd.f32 v24, v23;
	_ =	sdelay $0x1  }
0x208: {  	[tilespmem:v26+s15+$0x0] =	vst.idx.msk $0xffff, v23  }
0x209: {  	v23 =	vld [tilespmem:s24+$0x3C60]  }
0x20a: {  	v24 =	vld [tilespmem:s25+$0x3C60]  }
0x20b: {  	v25 =	vld [tilespmem:s26+$0x3C60]  }
0x20c: {  	v26 =	vld [tilespmem:s28+$0x3C60];
	_ =	sdelay $0x1  }
0x20d: {  	v23 =	vmul.f32 v23, v20  }
.Ltmp5:
0x20e: {  	v24 =	vmul.f32 v24, v21;
	(pc) =	sbr.rel @p0 .LBB2_4-.Ltmp5, $4  }
0x20f: {  	v25 =	vmul.f32 v25, v19  }
0x210: {  	v27 =	vadd.f32 v24, v23;
	v24 =	vmul.f32 v26, v22  }
0x211: {  	v23 =	vadd.s32 s19, v17  }
0x212: {  	v25 =	vadd.f32 v25, v27  }
0x213: {  	_ =	sdelay $0x1  }
0x214: {  	v24 =	vadd.f32 v24, v25;
	_ =	sdelay $0x1  }
0x215: {  	[tilespmem:v23+s15+$0x0] =	vst.idx.msk $0xffff, v24  }
0x216: {  	v23 =	vld [tilespmem:s24+$0x3C70]  }
0x217: {  	v24 =	vld [tilespmem:s25+$0x3C70];
	_ =	sdelay $0x1  }
0x218: {  	v62 =	vld [tilespmem:s26+$0x3C70];
	_ =	sdelay $0x1  }
0x219: {  	v26 =	vld [tilespmem:s28+$0x3C70]  }
0x21a: {  	v20 =	vmul.f32 v23, v20;
	v21 =	vmul.f32 v24, v21;
	_ =	sdelay $0x1  }
0x21b: {  	v19 =	vmul.f32 v62, v19;
	v20 =	vadd.f32 v21, v20  }
0x21c: {  	v63 =	vadd.s32 s29, v18;
	s2 =	sshrl.u32 s17, $0x3  }
0x21d: {  	s30 =	sshll.u32 s16, $0x7;
	s2 =	smul.u32 $0x18800, s2;
	v22 =	vmul.f32 v26, v22;
	v19 =	vadd.f32 v19, v20  }
0x21e: {  	s17 =	sand.u32 $0x380, s30  }
0x21f: {  	s2 =	sor.u32 s17, s2;
	v19 =	vadd.f32 v22, v19  }
0x220: {  	s31 =	rddreg [dreg:$0x2];
	s2 =	sshrl.u32 s2, $0x3  }
.Ltmp6:
0x221: {  	s2 =	sadd.s32 s31, s2;
	[tilespmem:v63+s15+$0x0] =	vst.idx.msk $0xffff, v19;
	(pc) =	sbr.rel .LBB2_6-.Ltmp6, $4  }
0x222: {  	[hbm4b:s2+s9] =	stream.strided.scatter [tilespmem:s15], [sflag:$0x2], $0x3100, s10, s9, $0x38;
	[tilespmem:$0x13900] =	vst v63  }
0x223: {  	_ =	swait.ge [sflag:s11], $0x3100  }
0x224: {  	[sflag:s11] =	ssyncset.done $0x0  }
0x225: {  	[sflag:s11] =	ssyncadd.s32 $0xFFFFCF00  }
.LBB2_8:
0x226: {  	_ =	sfence.sel $0x180000  }
0x227: {  	[bflag:$0x0] =	sbarrier.arrive $0xFFFF  }
0x228: {  	_ =	strace $0x90000047  }
0x229: {  	s0 =	stileid.u32;
	[bflag:$0x2] =	sbarrier.arrive $0xFFFF  }
0x22a: {  	p0 =	sne.s32 s0, $0x0;
	s0 =	rddreg [dreg:$0x3]  }
0x22b: {  	s0 =	sadd.s32 @!p0 $0x100000, s0  }
0x22c: {  	[sflag:s0] =	ssyncadd.tile.s32 @!p0 $0x1;
	_ =	shalt  }
.Lfunc_end2:
_tile_overlayer_lowered:
.L_overlay_start_2:
0x22d: {  	(tag) =	ssettag $0x2  }
0x22e: {  	s0 =	rddreg [dreg:$0x0];
	s2 =	stileid.u32  }
0x22f: {  	s1 =	rddreg [dreg:$0x1];
	p0 =	sne.s32 s2, $0x0  }
0x230: {  	s3 =	rddreg [dreg:$0x2];
	[bflag:$0x3] =	sbarrier.arrive $0xFFFF;
	s2 =	simm.s32 @!p0 $0x1C02  }
0x231: {  	[timem:s3], [sflag:s2] =	dma.local @!p0 [hbm:s0], s1  }
0x232: {  	s0 =	simm.s32 @!p0 $0x2  }
0x233: {  	_ =	swait.ge @!p0 [sflag:s0], s1  }
0x234: {  	s1 =	ssub.s32 @!p0 $0x0, s1;
	[sflag:s0] =	ssyncset.done @!p0 $0x0  }
0x235: {  	[sflag:s0] =	ssyncadd.s32 @!p0 s1  }
0x236: {  	[bflag:$0x3] =	sbarrier.arrive $0xFFFF  }
0x237: {  	_ =	shalt  }

// kernel: sparse-core-data-format-call.cloned.1.call-start
scs
called_computation_lowered:
.L_overlay_start_0:
0x0: {  	s2 =	sld [smem:$0x3FD9]  }
0x1: {  	s3 =	sld [smem:$0x3FFE];
	_ =	sdelay $0x1  }
0x2: {  	s1 =	srdreg.scid  }
0x3: {  	s0 =	sand.u32 $0x1, s1  }
0x4: {  	s18 =	sshll.u32 s0, $0xA;
	s2 =	sadd.s32 s3, s2  }
0x5: {  	s2 =	sadd.s32 s2, s18  }
0x6: {  	[smem:$0x3FC5] =	sst s2  }
0x7: {  	_ = 	snop  }
0x8: {  	s2 =	sld [smem:$0x3FD0];
	(tm) =	ssettm $0x1  }
0x9: {  	s19 =	sld [smem:$0x3FFB];
	_ =	sdelay $0x3  }
0xa: {  	_ =	strace s19  }
0xb: {  	s3 =	sld [smem:$0x3FFC];
	_ =	sdelay $0x3  }
0xc: {  	_ =	strace s3  }
0xd: {  	s3 =	sld [smem:$0x3FFD];
	_ =	sdelay $0x3  }
0xe: {  	_ =	strace s3  }
0xf: {  	_ =	strace $0x8FFFFFFF  }
0x10: {  	s20 =	sld [smem:$0x3FDB];
	_ =	sdelay $0x1  }
0x11: {  	s4 =	simm.s32 $_scs_section_size  }
0x12: {  	s5 =	simm.s32 $_size__tile_overlayer_lowered;
	s6 =	simm.s32 $_tile_overlayer_lowered  }
0x13: {  	s23 =	simm.s32 $0x1BFF;
	s22 =	sshll.u32 s6, $0x1;
	s3 =	sadd.s32 s4, s20  }
0x14: {  	s7 =	simm.s32 $0x0;
	s21 =	sshll.u32 s5, $0x1;
	s5 =	sadd.s32 s22, s3  }
0x15: {  	[timem:s7], [sflag:s23] =	dma.local [hbm:s5], s21  }
0x16: {  	_ =	swait.ge [sflag:s23], s21  }
0x17: {  	s4 =	ssub.s32 $0x0, s21;
	[sflag:s23] =	ssyncset.done $0x0  }
0x18: {  	[sflag:s23] =	ssyncadd.s32 s4;
	_ =	sdelay $0x1  }
0x19: {  	s24 =	simm.s32 $0x1B8B  }
0x1a: {  	_ =	swait.ge [sflag:s24], $0x1  }
0x1b: {  	[sflag:s24] =	ssyncset.done $0x0  }
0x1c: {  	s26 =	simm.s32 $0x1B8E;
	s25 =	sld [smem:$0x3FFE];
	[sflag:s24] =	ssyncadd.s32 $0xFFFFFFFF  }
0x1d: {  	s27 =	simm.s32 $execute0_lowered;
	[smem:$0x3FD2] =	sst s26  }
0x1e: {  	s5 =	sshll.u32 s27, $0x1;
	_ =	strace $0x80000049;
	[dreg:$0x1] =	wrdreg $0xFFFFFFFF  }
0x1f: {  	s28 =	simm.s32 $_size_execute0_lowered;
	s3 =	sadd.s32 s3, s5;
	[dreg:$0x0] =	wrdreg $0x0  }
0x20: {  	s5 =	sshll.u32 s28, $0x1;
	[dreg:$0x2] =	wrdreg s3  }
0x21: {  	[dreg:$0x3] =	wrdreg s5  }
0x22: {  	[dreg:$0x4] =	wrdreg $0xC0  }
0x23: {  	_ =	task [dreg:s7], $0x5FFFF  }
0x24: {  	[dreg:$0x1] =	wrdreg $0xFFFFFFFF  }
0x25: {  	[dreg:$0x0] =	wrdreg $0x60  }
0x26: {  	[dreg:$0x2] =	wrdreg s25  }
0x27: {  	[dreg:$0x3] =	wrdreg s2  }
0x28: {  	[dreg:$0x4] =	wrdreg $0x9  }
0x29: {  	_ =	task.clear_ibuf [dreg:s7], $0x5FFFF;
	_ =	strace $0x90000049  }
0x2a: {  	s29 =	simm.s32 $0x9;
	_ =	strace $0x8000004B  }
0x2b: {  	_ =	swait.ge [sflag:s29], $0x1  }
0x2c: {  	[sflag:s29] =	ssyncadd.s32 $0xFFFFFFFF  }
0x2d: {  	_ =	strace $0x9000004B  }
0x2e: {  	_ =	sfence  }
0x2f: {  	s30 =	sld [smem:$0x0];
	_ =	sdelay $0x2  }
0x30: {  	s31 =	sshll.u32 s1, $0xD;
	s1 =	sshrl.u32 s1, $0x2  }
0x31: {  	s3 =	sand.u32 $0x4000, s31;
	s1 =	sadd.s32 s1, s30  }
0x32: {  	s0 =	sor.u32 s3, s0;
	s1 =	sshll.u32 s1, $0x11  }
0x33: {  	s0 =	sor.u32 s1, s0  }
0x34: {  	s0 =	sadd.s32 $0x8F2B, s0  }
0x35: {  	[sflag:s0] =	ssyncadd.remote.s32 $0x1  }
0x36: {  	_ =	sfence.sel $0xFFFF  }
0x37: {  	[dreg:$0x0] =	wrdreg $0xFFFFFFFF;
	(pc) =	sbr.abs _section_cstart, $3  }
0x38: {  	[dreg:$0x1] =	wrdreg $0xFFFFFFFF  }
0x39: {  	_ =	task.clear_ibuf [dreg:s7], $0x2FFFF;
	_ =	strace $0x9FFFFFFF  }
0x3a: {  	(tm) =	ssettm $0x7FFFFFFF  }
0x3b: {  	_ =	shalt  }
tec
execute0_lowered:
.L_overlay_start_1:
0x0: {  	(tag) =	ssettag $0x1  }
0x1: {  	s0 =	stileid.u32;
	s8 =	rddreg [dreg:$0x0]  }
0x2: {  	s3 =	rddreg [dreg:$0x1];
	s7 =	srdreg.scid  }
0x3: {  	_ =	strace $0x8000004A;
	s31 =	simm.s32 $0x2;
	s19 =	simm.s32 $0x0  }
0x4: {  	p0 =	por $0x0, $0x0;
	s20 =	simm.s32 $0x0;
	s1 =	sshll.u32 s0, $0x7  }
0x5: {  	s22 =	simm.s32 $0x0;
	s21 =	simm.s32 $0x0;
	s2 =	sand.u32 $0x80, s1  }
0x6: {  	s11 =	simm.s32 $0x0;
	s12 =	simm.s32 $0x0;
	s5 =	ssub.s32 $0x100, s2  }
0x7: {  	s13 =	simm.s32 $0x0;
	s4 =	sshrl.u32 s0, $0x1;
	s6 =	sshrl.u32 s5, $0x7  }
0x8: {  	s4 =	sand.u32 $0x1, s4;
	s5 =	sshrl.u32 s5, $0x8;
	s6 =	sand.u32 $0x1, s6  }
0x9: {  	s14 =	simm.s32 $0x0;
	s29 =	ssub.s32 $0x4, s4;
	s5 =	sadd.s32 s5, s6  }
0xa: {  	s15 =	simm.s32 $0x0;
	s18 =	simm.s32 $0x0;
	s10 =	smul.u32 s5, s29  }
.Ltmp0:
0xb: {  	s9 =	sshll.u32 s0, $0x5;
	s7 =	sshll.u32 s7, $0x9;
	(pc) =	sbr.rel .LBB1_1-.Ltmp0, $4  }
0xc: {  	s30 =	sor.u32 s9, s7;
	s16 =	smov.u32 s4;
	s6 =	simm.s32 $0x1  }
0xd: {  	s5 =	sand.u32 $0x380, s30;
	[sflag:s6] =	ssyncpa.u1 $0x0;
	s7 =	smul.u32 $0x7, s10  }
0xe: {  	s17 =	smov.u32 s2;
	s8 =	sadd.s32 s5, s8;
	[sflag:s31] =	ssyncpa.u1 $0x0  }
0xf: {  	s8 =	sadd.s32 $0x188A00, s8;
	s10 =	simm.s32 $0x800;
	s9 =	sadd.s32 $0x1, s7  }
.LBB1_4:
0x10: {  	v5 =	vld [tilespmem:s24+$0xFFFFFFD0]  }
0x11: {  	s28 =	sshrl.u32 s14, $0x5;
	v58 =	vld [tilespmem:s24+$0xFFFFFFE0]  }
0x12: {  	p1 =	sgt.s32 s13, $0x6;
	v59 =	vld [tilespmem:s24+$0xFFFFFFF0];
	s28 =	sadd.s32 s28, s11  }
0x13: {  	s30 =	smov.u32 s13;
	s31 =	sshra.s32 s13, $0x1F;
	v60 =	vld [tilespmem:s24+$0x0];
	s28 =	sand.u32 $0xFFFFFC, s28  }
0x14: {  	s27 =	sshra.s32 s27, $0x2;
	p2 =	sgt.s32 s12, $0x6;
	v61 =	vld [tilespmem:s24+$0x10];
	s29 =	smulhi.u32 $0x83126F, s28  }
0x15: {  	p3 =	sgt.s32 s14, $0x80;
	v62 =	vld [tilespmem:s24+$0x20];
	s30 =	simm.s32 @!p1 $0x6;
	s31 =	sand.u32 s31, s13  }
0x16: {  	v63 =	vld [tilespmem:s24+$0xFFFFFFC0];
	s24 =	smul.u32 $0x36B00, s13;
	s30 =	ssub.s32 s30, s31;
	s29 =	sshrl.u32 s29, $0x1  }
0x17: {  	s1 =	sshra.s32 s12, $0x1F;
	s31 =	sadd.s32 $0xFFFFFFFA, s30;
	s29 =	smul.u32 $0x3E8, s29  }
0x18: {  	s26 =	sadd.s32 s27, s26;
	s1 =	sand.u32 s1, s12;
	p1 =	sgt.s32 s31, $0x0  }
0x19: {  	s27 =	ssub.s32 s28, s29;
	s28 =	smov.u32 s14;
	s29 =	sshra.s32 s14, $0x1F  }
0x1a: {  	[tilespmem:s25+$0x2040 ss:$0x81] =	vst.msk $0xffff, v4;
	s31 =	smov.u32 s12;
	s28 =	simm.s32 @!p3 $0x80;
	s29 =	sand.u32 s29, s14  }
0x1b: {  	[tilespmem:s25+$0x2850 ss:$0x81] =	vst.msk $0xffff, v3;
	s31 =	simm.s32 @!p2 $0x6;
	p2 =	sgt.s32 s11, $0x368;
	s28 =	ssub.s32 s28, s29  }
0x1c: {  	[tilespmem:s25+$0x3060 ss:$0x81] =	vst.msk $0xffff, v2;
	s1 =	ssub.s32 s31, s1;
	s29 =	smov.u32 s11;
	s31 =	sadd.s32 $0xFFFFFF80, s28  }
0x1d: {  	[tilespmem:s25+$0x0 ss:$0x81] =	vst.msk $0xffff, v1;
	s29 =	simm.s32 @!p2 $0x368;
	s25 =	ssub.s32 $0x100, s28;
	p3 =	sgt.s32 s31, $0x7F  }
0x1e: {  	[tilespmem:s26+$0x3870 ss:$0x81] =	vst.msk $0xffff, v0;
	s29 =	ssub.s32 $0x3E8, s29;
	s25 =	simm.s32 @p3 $0x0  }
0x1f: {  	s24 =	sadd.s32 s3, s24;
	[tilespmem:s26+$0x810 ss:$0x81] =	vst.msk $0xffff, v5;
	s28 =	ssub.s32 $0x7, s30;
	s25 =	smul.u32 s29, s25  }
0x20: {  	[tilespmem:s26+$0x1020 ss:$0x81] =	vst.msk $0xffff, v58;
	s30 =	sadd.s32 $0xFFFFFFFA, s1;
	s1 =	ssub.s32 $0x7, s1;
	s28 =	simm.s32 @p1 $0x0  }
0x21: {  	[tilespmem:s26+$0x1830 ss:$0x81] =	vst.msk $0xffff, v59;
	p1 =	sgt.s32 s30, $0x0;
	s31 =	sshrl.u32 s14, $0x3;
	s25 =	smul.u32 s28, s25  }
0x22: {  	[tilespmem:s26+$0x2040 ss:$0x81] =	vst.msk $0xffff, v60;
	s30 =	smul.u32 $0x7D00, s12;
	s1 =	simm.s32 @p1 $0x0;
	s28 =	sand.u32 $0xF, s31  }
0x23: {  	[tilespmem:s26+$0x2850 ss:$0x81] =	vst.msk $0xffff, v61;
	s31 =	sand.u32 $0x7, s14;
	s24 =	sadd.s32 s28, s24;
	s1 =	smul.u32 s1, s25  }
0x24: {  	[tilespmem:s26+$0x3060 ss:$0x81] =	vst.msk $0xffff, v62;
	s27 =	sshll.u32 s27, $0x5;
	s24 =	sadd.s32 s30, s24;
	s25 =	sshll.u32 s31, $0x12  }
0x25: {  	[tilespmem:s26+$0x0 ss:$0x81] =	vst.msk $0xffff, v63;
	s24 =	sadd.s32 s27, s24;
	s25 =	sor.u32 $0x400, s25;
	s1 =	sand.u32 $0x3FFFFFFF, s1  }
0x26: {  	[hbm4b:s24+s25] =	stream.strided.scatter [tilespmem:s23], [sflag:$0x2], s1, s10, s25, $0x20;
	[tilespmem:$0x10100] =	vst v63  }
.LBB1_5:
0x27: {  	p1 =	slt.u32 s18, $0x2  }
0x28: {  	s1 =	smov.u32 s22;
	s24 =	smov.u32 s16;
	s26 =	smov.u32 s17  }
0x29: {  	s27 =	sadd.s32 $0x1, s18;
	p2 =	sgt.s32 @!p1 s22, $0x6;
	s23 =	sshra.s32 @!p1 s22, $0x1F  }
0x2a: {  	p3 =	sgt.s32 @!p1 s20, $0x6;
	p4 =	sgt.s32 @!p1 s19, $0x368;
	p2 =	por !p2, p1  }
0x2b: {  	s22 =	sand.u32 @!p1 s23, s22;
	s23 =	sshra.s32 @!p1 s21, $0x1F;
	p3 =	por !p3, p1  }
0x2c: {  	p4 =	por !p4, p1;
	s1 =	simm.s32 @p2 $0x6;
	p2 =	sgt.s32 @!p1 s21, $0x80  }
0x2d: {  	s1 =	ssub.s32 @!p1 s1, s22;
	p2 =	por !p2, p1;
	s22 =	smov.u32 s21  }
0x2e: {  	s19 =	simm.s32 @p4 $0x368;
	s21 =	sand.u32 @!p1 s23, s21;
	s22 =	simm.s32 @p2 $0x80  }
0x2f: {  	s19 =	ssub.s32 @!p1 $0x3E8, s19;
	s23 =	sadd.s32 @!p1 $0xFFFFFFFA, s1;
	s21 =	ssub.s32 @!p1 s22, s21  }
0x30: {  	s22 =	smov.u32 s20;
	p2 =	sgt.s32 @!p1 s23, $0x0;
	s23 =	sadd.s32 @!p1 $0xFFFFFF80, s21  }
0x31: {  	s22 =	simm.s32 @p3 $0x6;
	p3 =	sgt.s32 @!p1 s23, $0x7F;
	s23 =	sshra.s32 @!p1 s20, $0x1F  }
0x32: {  	s21 =	ssub.s32 @!p1 $0x100, s21;
	p3 =	por !p3, p1;
	s20 =	sand.u32 @!p1 s23, s20  }
0x33: {  	s1 =	ssub.s32 @!p1 $0x7, s1;
	s21 =	simm.s32 @!p3 $0x0;
	s20 =	ssub.s32 @!p1 s22, s20  }
0x34: {  	p2 =	por !p2, p1;
	s22 =	sadd.s32 @!p1 $0xFFFFFFFA, s20;
	s19 =	smul.u32 @!p1 s19, s21  }
0x35: {  	s1 =	simm.s32 @!p2 $0x0;
	s23 =	sadd.s32 $0x1, s15;
	p2 =	sgt.s32 @!p1 s22, $0x0  }
0x36: {  	s20 =	ssub.s32 @!p1 $0x7, s20;
	p2 =	por !p2, p1;
	s1 =	smul.u32 @!p1 s1, s19  }
0x37: {  	s19 =	sadd.s32 $0x2, s16;
	s20 =	simm.s32 @!p2 $0x0;
	p2 =	sgt.s32 s23, $0x6  }
0x38: {  	p0 =	por !p0, !p0;
	s25 =	simm.s32 @!p1 $0x2;
	s24 =	smov.u32 @p2 s19  }
0x39: {  	s23 =	simm.s32 @p2 $0x0;
	s19 =	sadd.s32 $0x100, s17;
	p2 =	sgt.s32 s24, $0x6  }
0x3a: {  	s21 =	smov.u32 s14;
	s14 =	smov.u32 s17;
	s26 =	smov.u32 @p2 s19  }
0x3b: {  	s22 =	smov.u32 s13;
	s24 =	smov.u32 @p2 s4;
	p2 =	sgt.s32 s26, $0xFF  }
0x3c: {  	s1 =	smul.u32 @!p1 s20, s1;
	s26 =	smov.u32 @p2 s2;
	p2 =	sne.s32 s18, s9  }
.Ltmp1:
0x3d: {  	s13 =	smov.u32 s16;
	s20 =	smov.u32 s12;
	(pc) =	sbr.rel @!p2 .LBB1_6-.Ltmp1, $4  }
0x3e: {  	s12 =	smov.u32 s15;
	s15 =	smov.u32 s23;
	s1 =	sand.u32 @!p1 $0x3FFFFFFF, s1  }
0x3f: {  	s19 =	smov.u32 s11;
	s11 =	smov.u32 s5;
	_ =	swait.ge @!p1 [sflag:s25], s1  }
0x40: {  	s1 =	ssub.s32 @!p1 $0x0, s1;
	s16 =	smov.u32 s24;
	[sflag:s25] =	ssyncset.done @!p1 $0x0  }
0x41: {  	s18 =	smov.u32 s27;
	[sflag:s25] =	ssyncadd.s32 @!p1 s1;
	s17 =	smov.u32 s26  }
.LBB1_1:
0x42: {  	p1 =	sge.u32 s18, s7  }
0x43: {  	s24 =	smul.u32 @!p1 $0x1C00, s17  }
0x44: {  	s31 =	sadd.s32 $0xFFFFFFFF, s18;
	s23 =	sxor.u32 @!p1 $0xFFFFFFFF, s18;
	s25 =	sshll.u32 @!p1 s16, $0xA  }
0x45: {  	s26 =	sshll.u32 @!p1 s15, $0x4;
	s23 =	sshll.u32 @!p1 s23, $0xE;
	s24 =	sadd.s32 @!p1 s24, s8  }
0x46: {  	s26 =	sand.u32 @!p1 $0x70, s26;
	s23 =	sand.u32 @!p1 $0x4000, s23;
	s24 =	sadd.s32 @!p1 s25, s24  }
0x47: {  	s25 =	simm.s32 @!p1 $0x80;
	s24 =	sadd.s32 @!p1 s26, s24;
	s26 =	simm.s32 @!p1 $0xE000  }
0x48: {  	[tilespmem:s23], [sflag:$0x1] =	stream.strided.gather @!p1 [hbm4b:s24+s25], $0x4000, s26, s25, $0x38;
	[tilespmem:$0x10100] =	vst v63  }
0x49: {  	p1 =	sge.u32 s31, s7  }
.Ltmp2:
0x4a: {  	_ = 	snop;
	(pc) =	sbr.rel @p1 .LBB1_5-.Ltmp2, $1  }
0x4b: {  	_ =	sdelay $0x3  }
0x4c: {  	s23 =	simm.s32 $0x1  }
0x4d: {  	_ =	swait.ge [sflag:s6], $0x4000;
	s23 =	simm.s32 @!p0 $0x0  }
0x4e: {  	[sflag:s6] =	ssyncset.done $0x0;
	s24 =	sshll.u32 s23, $0xE  }
0x4f: {  	[sflag:s6] =	ssyncadd.s32 $0xFFFFC000;
	s24 =	sor.u32 $0x40, s24  }
0x50: {  	s23 =	smul.u32 $0x10200, s23;
	v0 =	vld [tilespmem:s24+$0x30]  }
0x51: {  	v1 =	vld [tilespmem:s24+$0xFFFFFFD0]  }
0x52: {  	s23 =	sshrl.u32 s23, $0x2;
	v5 =	vld [tilespmem:s24+$0xFFFFFFE0]  }
0x53: {  	v6 =	vld [tilespmem:s24+$0xFFFFFFF0];
	s26 =	sor.u32 $0x8000, s23  }
0x54: {  	s31 =	sand.u32 $0x1, s18;
	v4 =	vld [tilespmem:s24+$0x0];
	s25 =	sadd.s32 $0x0, s26  }
0x55: {  	v3 =	vld [tilespmem:s24+$0x10];
	s23 =	smul.u32 $0x10200, s31;
	[tilespmem:s25+$0x3870 ss:$0x81] =	vst.msk $0xffff, v0  }
0x56: {  	v2 =	vld [tilespmem:s24+$0x20];
	[tilespmem:s25+$0x810 ss:$0x81] =	vst.msk $0xffff, v1  }
0x57: {  	s23 =	sshrl.u32 s23, $0x2;
	v1 =	vld [tilespmem:s24+$0xFFFFFFC0];
	[tilespmem:s25+$0x1020 ss:$0x81] =	vst.msk $0xffff, v5;
	s24 =	sadd.s32 $0x80, s24  }
0x58: {  	s27 =	simm.s32 $0x4;
	s28 =	simm.s32 $0x8;
	s23 =	sor.u32 $0x8000, s23;
	[tilespmem:s25+$0x1830 ss:$0x81] =	vst.msk $0xffff, v6;
	v0 =	vld [tilespmem:s24+$0x30]  }
.LBB1_3:
0x59: {  	p1 =	sne.s32 s28, $0x1FC;
	v5 =	vld [tilespmem:s24+$0xFFFFFFD0];
	[tilespmem:s25+$0x2040 ss:$0x81] =	vst.msk $0xffff, v4  }
0x5a: {  	v6 =	vld [tilespmem:s24+$0xFFFFFFE0];
	[tilespmem:s25+$0x2850 ss:$0x81] =	vst.msk $0xffff, v3  }
0x5b: {  	s29 =	sshra.s32 s27, $0x2;
	s27 =	smov.u32 s28;
	v7 =	vld [tilespmem:s24+$0xFFFFFFF0];
	[tilespmem:s25+$0x3060 ss:$0x81] =	vst.msk $0xffff, v2  }
.Ltmp3:
0x5c: {  	v4 =	vld [tilespmem:s24+$0x0];
	[tilespmem:s25+$0x0 ss:$0x81] =	vst.msk $0xffff, v1;
	s25 =	sadd.s32 s29, s26;
	(pc) =	sbr.rel @p1 .LBB1_3-.Ltmp3, $4  }
0x5d: {  	v3 =	vld [tilespmem:s24+$0x10];
	[tilespmem:s25+$0x3870 ss:$0x81] =	vst.msk $0xffff, v0  }
0x5e: {  	[tilespmem:s25+$0x810 ss:$0x81] =	vst.msk $0xffff, v5;
	v2 =	vld [tilespmem:s24+$0x20]  }
0x5f: {  	v1 =	vld [tilespmem:s24+$0xFFFFFFC0];
	[tilespmem:s25+$0x1020 ss:$0x81] =	vst.msk $0xffff, v6;
	s24 =	sadd.s32 $0x80, s24  }
0x60: {  	s28 =	sadd.s32 $0x4, s28;
	v0 =	vld [tilespmem:s24+$0x30];
	[tilespmem:s25+$0x1830 ss:$0x81] =	vst.msk $0xffff, v7  }
.Ltmp4:
0x61: {  	_ = 	snop;
	(pc) =	sbr.rel .LBB1_4-.Ltmp4, $1  }
0x62: {  	_ =	sdelay $0x3  }
.LBB1_6:
0x63: {  	_ =	sfence.sel $0x180000  }
0x64: {  	s1 =	simm.s32 $0x1;
	[bflag:$0x0] =	sbarrier.arrive $0xFFFF  }
0x65: {  	s31 =	simm.s32 $0x2;
	[sflag:s1] =	ssyncpa.u1 $0x1  }
0x66: {  	[sflag:s31] =	ssyncpa.u1 $0x1  }
0x67: {  	_ =	strace $0x9000004A  }
0x68: {  	[bflag:$0x2] =	sbarrier.arrive $0xFFFF  }
0x69: {  	p0 =	sne.s32 s0, $0x0;
	s0 =	rddreg [dreg:$0x2]  }
0x6a: {  	s0 =	sadd.s32 @!p0 $0x100000, s0  }
0x6b: {  	[sflag:s0] =	ssyncadd.tile.s32 @!p0 $0x1;
	_ =	shalt  }
.Lfunc_end1:
_tile_overlayer_lowered:
.L_overlay_start_2:
0x6c: {  	(tag) =	ssettag $0x2  }
0x6d: {  	s0 =	rddreg [dreg:$0x0];
	s2 =	stileid.u32  }
0x6e: {  	s1 =	rddreg [dreg:$0x1];
	p0 =	sne.s32 s2, $0x0  }
0x6f: {  	s3 =	rddreg [dreg:$0x2];
	[bflag:$0x3] =	sbarrier.arrive $0xFFFF;
	s2 =	simm.s32 @!p0 $0x1C01  }
0x70: {  	[timem:s3], [sflag:s2] =	dma.local @!p0 [hbm:s0], s1  }
0x71: {  	s0 =	simm.s32 @!p0 $0x1  }
0x72: {  	_ =	swait.ge @!p0 [sflag:s0], s1  }
0x73: {  	s1 =	ssub.s32 @!p0 $0x0, s1;
	[sflag:s0] =	ssyncset.done @!p0 $0x0  }
0x74: {  	[sflag:s0] =	ssyncadd.s32 @!p0 s1  }
0x75: {  	[bflag:$0x3] =	sbarrier.arrive $0xFFFF  }
0x76: {  	_ =	shalt  }

</sc_bundles>
